<compile_context>
chip_gen: v7x
topology: tpu7x:2x2x1
jax: 0.10.2.dev20260603
libtpu: 0.0.44.dev20260713+nightly
codegen_flags: <defaults>
</compile_context>

<pallas_src>
import functools

import jax
import jax.numpy as jnp
from jax import lax
from jax.experimental import pallas as pl
from jax.experimental.pallas import tpu as pltpu
from jax.experimental.pallas import tpu_sc as plsc

_NC = 2
_NS = 16


def _make_sc_scatter_add(N, D, E, C, tc_tiling):
    NW = _NC * _NS
    epw = E // NW
    nch = epw // C
    assert epw * NW == E and nch * C == epw and C <= 128
    NT = 10
    RPT = N // NT
    assert RPT * NT == N and RPT % 8 == 0

    mesh = plsc.VectorSubcoreMesh(core_axis_name="c", subcore_axis_name="s")

    @functools.partial(
        pl.kernel,
        out_type=jax.ShapeDtypeStruct((_NC, N, D), jnp.float32),
        mesh=mesh,
        compiler_params=pltpu.CompilerParams(use_tc_tiling_on_sc=tc_tiling),
        scratch_types=[
            pltpu.VMEM((nch, C), jnp.int32),
            pltpu.VMEM((nch, C), jnp.int32),
            pltpu.VMEM((C, D), jnp.float32),
            pltpu.VMEM_SHARED((N, D), jnp.float32),
        ],
    )
    def k(table_hbm, src_hbm, dst_hbm, out_hbm,
          src_v, dst_v, buf, aggr):
        c = lax.axis_index("c")
        s = lax.axis_index("s")
        wid = c * _NS + s
        row0 = pl.multiple_of(s * RPT, 8)

        sl = pl.ds(row0, RPT)

        @pl.when(s < NT)
        def _():
            pltpu.sync_copy(table_hbm.at[sl], aggr.at[sl])

        pltpu.sync_copy(src_hbm.at[wid], src_v)
        pltpu.sync_copy(dst_hbm.at[wid], dst_v)
        plsc.subcore_barrier()

        def body(i, carry):
            pltpu.sync_copy(table_hbm.at[src_v.at[i]], buf)
            pltpu.sync_copy(buf, aggr.at[dst_v.at[i]], add=True)
            return carry

        lax.fori_loop(0, nch, body, 0)

        plsc.subcore_barrier()

        @pl.when(s < NT)
        def _():
            pltpu.sync_copy(aggr.at[sl], out_hbm.at[c].at[sl])

    return k


def _mlp1_body(p0, p1, xb, Wa, ba, Wb, bb, out):
    h = p0[...] + p1[...] - xb[...]
    h = jnp.maximum(jnp.dot(h, Wa[...], preferred_element_type=jnp.float32)
                    + ba[...], 0.0)
    h = jnp.dot(h, Wb[...], preferred_element_type=jnp.float32) + bb[...]
    out[...] = jnp.maximum(h, 0.0)


def _mlp2_body(p0, p1, xb, Wa, ba, Wb, bb, Wl1, bl1, Wl2, bl2, out):
    h = p0[...] + p1[...] - xb[...]
    h = jnp.maximum(jnp.dot(h, Wa[...], preferred_element_type=jnp.float32)
                    + ba[...], 0.0)
    h = jnp.dot(h, Wb[...], preferred_element_type=jnp.float32) + bb[...]
    h = jnp.maximum(h, 0.0)
    h = jnp.maximum(jnp.dot(h, Wl1[...], preferred_element_type=jnp.float32)
                    + bl1[...], 0.0)
    h = jnp.maximum(jnp.dot(h, Wl2[...], preferred_element_type=jnp.float32)
                    + bl2[...], 0.0)
    out[...] = jax.nn.sigmoid(h)


def _full(shape):
    return pl.BlockSpec(shape, lambda i: (0, 0))


def _mlp1(p, x, Wa, ba, Wb, bb, B=2000):
    N, D = p.shape[1], p.shape[2]
    H = Wa.shape[1]
    return pl.pallas_call(
        _mlp1_body,
        grid=(N // B,),
        in_specs=[pl.BlockSpec((B, D), lambda i: (i, 0)),
                  pl.BlockSpec((B, D), lambda i: (i, 0)),
                  pl.BlockSpec((B, D), lambda i: (i, 0)),
                  _full((D, H)), _full((1, H)),
                  _full((H, H)), _full((1, H))],
        out_specs=pl.BlockSpec((B, H), lambda i: (i, 0)),
        out_shape=jax.ShapeDtypeStruct((N, H), jnp.float32),
    )(p[0], p[1], x, Wa, ba.reshape(1, -1), Wb, bb.reshape(1, -1))


def _mlp2(p, h1, Wa, ba, Wb, bb, Wl1, bl1, Wl2, bl2, B=2000):
    N, H = p.shape[1], p.shape[2]
    K = Wl1.shape[1]
    return pl.pallas_call(
        _mlp2_body,
        grid=(N // B,),
        in_specs=[pl.BlockSpec((B, H), lambda i: (i, 0)),
                  pl.BlockSpec((B, H), lambda i: (i, 0)),
                  pl.BlockSpec((B, H), lambda i: (i, 0)),
                  _full((H, H)), _full((1, H)),
                  _full((H, H)), _full((1, H)),
                  _full((H, K)), _full((1, K)),
                  _full((K, 1)), _full((1, 1))],
        out_specs=pl.BlockSpec((B, 1), lambda i: (i, 0)),
        out_shape=jax.ShapeDtypeStruct((N, 1), jnp.float32),
    )(p[0], p[1], h1, Wa, ba.reshape(1, -1), Wb, bb.reshape(1, -1),
      Wl1, bl1.reshape(1, -1), Wl2, bl2.reshape(1, -1))


def kernel(x, edge_index, batch, W1a, b1a, W1b, b1b, W2a, b2a, W2b, b2b,
           Wl1, bl1, Wl2, bl2):
    N, D = x.shape
    E = edge_index.shape[1]
    H = W1a.shape[1]
    C = 125
    NW = _NC * _NS
    src3d = edge_index[0].reshape(NW, E // (NW * C), C)
    dst3d = edge_index[1].reshape(NW, E // (NW * C), C)

    scat1 = _make_sc_scatter_add(N, D, E, C, tc_tiling=True)
    scat2 = _make_sc_scatter_add(N, H, E, C, tc_tiling=False)

    p1 = scat1(x, src3d, dst3d)
    h1 = _mlp1(p1, x, W1a, b1a, W1b, b1b)
    p2 = scat2(h1, src3d, dst3d)
    return _mlp2(p2, h1, W2a, b2a, W2b, b2b, Wl1, bl1, Wl2, bl2)

# --- scband reference (transcript-rebuilt; emitter-appended) ---
"""Pipeline reference for scband-aids-model-47974784696931 (READ-ONLY COPY).

The authoritative reference and input builder live on the scoring server;
editing this copy changes nothing except your own understanding.
"""

import jax, jax.numpy as jnp
import numpy as np

N = 10000
E = 320000
D = 128
H = 64

def _init_linear(key, fan_in, fan_out):
    k1, k2 = jax.random.split(key)
    bound = 1.0 / np.sqrt(fan_in)
    W = jax.random.uniform(k1, (fan_in, fan_out), minval=-bound, maxval=bound, dtype=jnp.float32)
    b = jax.random.uniform(k2, (fan_out,), minval=-bound, maxval=bound, dtype=jnp.float32)
    return W, b

def setup_inputs(seed: int = 0) -> dict:
    key = jax.random.key(seed)
    ks = jax.random.split(key, 12)
    x = jax.random.normal(ks[0], (N, D), dtype=jnp.float32)
    edge_index = jax.random.randint(ks[1], (2, E), 0, N, dtype=jnp.int32)
    batch = jnp.sort(jax.random.randint(ks[2], (N,), 0, 512, dtype=jnp.int32))
    W1a, b1a = _init_linear(ks[3], D, H)
    W1b, b1b = _init_linear(ks[4], H, H)
    W2a, b2a = _init_linear(ks[5], H, H)
    W2b, b2b = _init_linear(ks[6], H, H)
    Wl1, bl1 = _init_linear(ks[7], H, 16)
    Wl2, bl2 = _init_linear(ks[8], 16, 1)
    return {"x": x, "edge_index": edge_index, "batch": batch,
            "W1a": W1a, "b1a": b1a, "W1b": W1b, "b1b": b1b,
            "W2a": W2a, "b2a": b2a, "W2b": W2b, "b2b": b2b,
            "Wl1": Wl1, "bl1": bl1, "Wl2": Wl2, "bl2": bl2}

def _gin_conv(x, edge_index, Wa, ba, Wb, bb, eps=0.0):
    src = edge_index[0]
    dst = edge_index[1]
    # sum aggregation of neighbor messages (scatter-add)
    aggr = jnp.zeros_like(x).at[dst].add(x[src])
    h = (1.0 + eps) * x + aggr
    h = jnp.maximum(h @ Wa + ba, 0.0)
    h = h @ Wb + bb
    return h

def reference(x, edge_index, batch, W1a, b1a, W1b, b1b, W2a, b2a, W2b, b2b, Wl1, bl1, Wl2, bl2):
    # batch is carried by the data object but unused in this model's forward
    h = jnp.maximum(_gin_conv(x, edge_index, W1a, b1a, W1b, b1b), 0.0)
    h = jnp.maximum(_gin_conv(h, edge_index, W2a, b2a, W2b, b2b), 0.0)
    h = jnp.maximum(h @ Wl1 + bl1, 0.0)
    h = jnp.maximum(h @ Wl2 + bl2, 0.0)
    return jax.nn.sigmoid(h)

if __name__ == "__main__":
    import jax
    _d = setup_inputs()
    print(jax.jit(kernel)(*tuple(_d.values())))

</pallas_src>

<mosaic_0001>
#map = affine_map<(d0, d1) -> (0, 0)>
#map1 = affine_map<(d0, d1) -> (0, 0, 0)>
module attributes {stable_mosaic.version = 14 : i64} {
  func.func @k(%arg0: i32, %arg1: i32, %arg2: memref<10000x128xf32, #tpu.memory_space<hbm>>, %arg3: memref<32x80x125xi32, #tpu.memory_space<hbm>>, %arg4: memref<32x80x125xi32, #tpu.memory_space<hbm>>, %arg5: memref<2x10000x128xf32, #tpu.memory_space<hbm>>, %arg6: memref<80x125xi32, #tpu.memory_space<vmem>>, %arg7: memref<80x125xi32, #tpu.memory_space<vmem>>, %arg8: memref<125x128xf32, #tpu.memory_space<vmem>>, %arg9: memref<10000x128xf32, #tpu.memory_space<vmem_shared>>) attributes {dimension_semantics = [#tpu.dimension_semantics<core_parallel>, #tpu.dimension_semantics<subcore_parallel>], iteration_bounds = array<i64: 2, 16>, scalar_prefetch = 0 : i64, scratch_operands = 4 : i64, tpu.core_type = #tpu.core_type<sc_vector_subcore>, window_params = [{transform_indices = #map}, {transform_indices = #map1}, {transform_indices = #map1}, {transform_indices = #map1}]} {
    %mul3A = arith.constant 16 : i32
    %mul3A_0 = arith.muli %arg0, %mul3A : i32
    %add3A = arith.addi %mul3A_0, %arg1 : i32
    %mul3A_1 = arith.constant 1000 : i32
    %mul3A_2 = arith.muli %arg1, %mul3A_1 : i32
    %multiple_of3A = tpu.assume_multiple %mul3A_2, 8 : i32
    %lt3A = arith.constant 10 : i32
    %lt3A_3 = arith.cmpi slt, %arg1, %lt3A : i32
    %convert_element_type3A = arith.extui %lt3A_3 : i1 to i32
    %cond3A = arith.constant 0 : i32
    %cond3A_4 = arith.cmpi ne, %convert_element_type3A, %cond3A : i32
    scf.if %cond3A_4 {
      "tpu.region"() ({
        %run_scoped3A = tpu.sem_alloc : memref<!tpu.dma_semaphore, #tpu.memory_space<semaphore_mem>>
        %dma_start3A = arith.constant 0 : i32
        %dma_start3A_16 = tpu.memref_slice %arg9[%multiple_of3A, %dma_start3A] : memref<10000x128xf32, #tpu.memory_space<vmem_shared>> -> memref<1000x128xf32, #tpu.memory_space<vmem_shared>>
        %dma_start3A_17 = arith.constant 0 : i32
        %dma_start3A_18 = tpu.memref_slice %arg2[%multiple_of3A, %dma_start3A_17] : memref<10000x128xf32, #tpu.memory_space<hbm>> -> memref<1000x128xf32, #tpu.memory_space<hbm>>
        tpu.enqueue_dma source(%dma_start3A_18 : memref<1000x128xf32, #tpu.memory_space<hbm>>) target(%dma_start3A_16 : memref<1000x128xf32, #tpu.memory_space<vmem_shared>>) target_semaphore(%run_scoped3A : memref<!tpu.dma_semaphore, #tpu.memory_space<semaphore_mem>>)
        %dma_wait3A = arith.constant 0 : i32
        %dma_wait3A_19 = tpu.memref_slice %arg9[%multiple_of3A, %dma_wait3A] : memref<10000x128xf32, #tpu.memory_space<vmem_shared>> -> memref<1000x128xf32, #tpu.memory_space<vmem_shared>>
        %dma_wait3A_20 = arith.constant 0 : i32
        %dma_wait3A_21 = tpu.memref_slice %arg2[%multiple_of3A, %dma_wait3A_20] : memref<10000x128xf32, #tpu.memory_space<hbm>> -> memref<1000x128xf32, #tpu.memory_space<hbm>>
        tpu.wait_dma2 semaphore(%run_scoped3A : memref<!tpu.dma_semaphore, #tpu.memory_space<semaphore_mem>>) src(%dma_wait3A_21 : memref<1000x128xf32, #tpu.memory_space<hbm>>) dst(%dma_wait3A_19 : memref<1000x128xf32, #tpu.memory_space<vmem_shared>>)
        tpu.yield
      }) : () -> ()
    } else {
    }
    "tpu.region"() ({
      %run_scoped3A = tpu.sem_alloc : memref<!tpu.dma_semaphore, #tpu.memory_space<semaphore_mem>>
      %dma_start3A = arith.constant 0 : i32
      %dma_start3A_16 = arith.constant 0 : i32
      %dma_start3A_17 = tpu.memref_slice %arg3[%add3A, %dma_start3A, %dma_start3A_16] : memref<32x80x125xi32, #tpu.memory_space<hbm>> -> memref<1x80x125xi32, #tpu.memory_space<hbm>>
      %dma_start3A_18 = tpu.memref_squeeze %dma_start3A_17 : memref<1x80x125xi32, #tpu.memory_space<hbm>> -> memref<80x125xi32, #tpu.memory_space<hbm>>
      %dma_start3A_19 = arith.constant 0 : i32
      %dma_start3A_20 = arith.constant 0 : i32
      %dma_start3A_21 = tpu.memref_slice %arg3[%add3A, %dma_start3A_19, %dma_start3A_20] : memref<32x80x125xi32, #tpu.memory_space<hbm>> -> memref<1x80x125xi32, #tpu.memory_space<hbm>>
      %dma_start3A_22 = tpu.memref_squeeze %dma_start3A_21 : memref<1x80x125xi32, #tpu.memory_space<hbm>> -> memref<80x125xi32, #tpu.memory_space<hbm>>
      tpu.enqueue_dma source(%dma_start3A_22 : memref<80x125xi32, #tpu.memory_space<hbm>>) target(%arg6 : memref<80x125xi32, #tpu.memory_space<vmem>>) target_semaphore(%run_scoped3A : memref<!tpu.dma_semaphore, #tpu.memory_space<semaphore_mem>>)
      %dma_wait3A = arith.constant 0 : i32
      %dma_wait3A_23 = arith.constant 0 : i32
      %dma_wait3A_24 = tpu.memref_slice %arg3[%add3A, %dma_wait3A, %dma_wait3A_23] : memref<32x80x125xi32, #tpu.memory_space<hbm>> -> memref<1x80x125xi32, #tpu.memory_space<hbm>>
      %dma_wait3A_25 = tpu.memref_squeeze %dma_wait3A_24 : memref<1x80x125xi32, #tpu.memory_space<hbm>> -> memref<80x125xi32, #tpu.memory_space<hbm>>
      %dma_wait3A_26 = arith.constant 0 : i32
      %dma_wait3A_27 = arith.constant 0 : i32
      %dma_wait3A_28 = tpu.memref_slice %arg3[%add3A, %dma_wait3A_26, %dma_wait3A_27] : memref<32x80x125xi32, #tpu.memory_space<hbm>> -> memref<1x80x125xi32, #tpu.memory_space<hbm>>
      %dma_wait3A_29 = tpu.memref_squeeze %dma_wait3A_28 : memref<1x80x125xi32, #tpu.memory_space<hbm>> -> memref<80x125xi32, #tpu.memory_space<hbm>>
      tpu.wait_dma2 semaphore(%run_scoped3A : memref<!tpu.dma_semaphore, #tpu.memory_space<semaphore_mem>>) src(%dma_wait3A_29 : memref<80x125xi32, #tpu.memory_space<hbm>>) dst(%arg6 : memref<80x125xi32, #tpu.memory_space<vmem>>)
      tpu.yield
    }) : () -> ()
    "tpu.region"() ({
      %run_scoped3A = tpu.sem_alloc : memref<!tpu.dma_semaphore, #tpu.memory_space<semaphore_mem>>
      %dma_start3A = arith.constant 0 : i32
      %dma_start3A_16 = arith.constant 0 : i32
      %dma_start3A_17 = tpu.memref_slice %arg4[%add3A, %dma_start3A, %dma_start3A_16] : memref<32x80x125xi32, #tpu.memory_space<hbm>> -> memref<1x80x125xi32, #tpu.memory_space<hbm>>
      %dma_start3A_18 = tpu.memref_squeeze %dma_start3A_17 : memref<1x80x125xi32, #tpu.memory_space<hbm>> -> memref<80x125xi32, #tpu.memory_space<hbm>>
      %dma_start3A_19 = arith.constant 0 : i32
      %dma_start3A_20 = arith.constant 0 : i32
      %dma_start3A_21 = tpu.memref_slice %arg4[%add3A, %dma_start3A_19, %dma_start3A_20] : memref<32x80x125xi32, #tpu.memory_space<hbm>> -> memref<1x80x125xi32, #tpu.memory_space<hbm>>
      %dma_start3A_22 = tpu.memref_squeeze %dma_start3A_21 : memref<1x80x125xi32, #tpu.memory_space<hbm>> -> memref<80x125xi32, #tpu.memory_space<hbm>>
      tpu.enqueue_dma source(%dma_start3A_22 : memref<80x125xi32, #tpu.memory_space<hbm>>) target(%arg7 : memref<80x125xi32, #tpu.memory_space<vmem>>) target_semaphore(%run_scoped3A : memref<!tpu.dma_semaphore, #tpu.memory_space<semaphore_mem>>)
      %dma_wait3A = arith.constant 0 : i32
      %dma_wait3A_23 = arith.constant 0 : i32
      %dma_wait3A_24 = tpu.memref_slice %arg4[%add3A, %dma_wait3A, %dma_wait3A_23] : memref<32x80x125xi32, #tpu.memory_space<hbm>> -> memref<1x80x125xi32, #tpu.memory_space<hbm>>
      %dma_wait3A_25 = tpu.memref_squeeze %dma_wait3A_24 : memref<1x80x125xi32, #tpu.memory_space<hbm>> -> memref<80x125xi32, #tpu.memory_space<hbm>>
      %dma_wait3A_26 = arith.constant 0 : i32
      %dma_wait3A_27 = arith.constant 0 : i32
      %dma_wait3A_28 = tpu.memref_slice %arg4[%add3A, %dma_wait3A_26, %dma_wait3A_27] : memref<32x80x125xi32, #tpu.memory_space<hbm>> -> memref<1x80x125xi32, #tpu.memory_space<hbm>>
      %dma_wait3A_29 = tpu.memref_squeeze %dma_wait3A_28 : memref<1x80x125xi32, #tpu.memory_space<hbm>> -> memref<80x125xi32, #tpu.memory_space<hbm>>
      tpu.wait_dma2 semaphore(%run_scoped3A : memref<!tpu.dma_semaphore, #tpu.memory_space<semaphore_mem>>) src(%dma_wait3A_29 : memref<80x125xi32, #tpu.memory_space<hbm>>) dst(%arg7 : memref<80x125xi32, #tpu.memory_space<vmem>>)
      tpu.yield
    }) : () -> ()
    %barrier3A = arith.constant 0 : index
    tpu.barrier barrier_id(%barrier3A)
    %scan3A = arith.constant 0 : i32
    %scan3A_5 = arith.constant 0 : i32
    %scan3A_6 = arith.constant 80 : i32
    %scan3A_7 = arith.addi %scan3A_5, %scan3A_6 : i32
    %scan3A_8 = arith.constant 1 : i32
    scf.for %scan3A_16 = %scan3A_5 to %scan3A_7 step %scan3A_8  : i32 {
      "tpu.region"() ({
        %run_scoped3A = tpu.sem_alloc : memref<!tpu.dma_semaphore, #tpu.memory_space<semaphore_mem>>
        %dma_start3A = arith.constant 0 : i32
        %dma_start3A_17 = tpu.memref_slice %arg6[%scan3A_16, %dma_start3A] : memref<80x125xi32, #tpu.memory_space<vmem>> -> memref<1x125xi32, #tpu.memory_space<vmem>>
        %dma_start3A_18 = tpu.memref_squeeze %dma_start3A_17 : memref<1x125xi32, #tpu.memory_space<vmem>> -> memref<125xi32, #tpu.memory_space<vmem>>
        %dma_start3A_19 = arith.constant 0 : i32
        %dma_start3A_20 = arith.constant 0 : i32
        %dma_start3A_21 = tpu.memref_slice %arg2[%dma_start3A_19, %dma_start3A_20] : memref<10000x128xf32, #tpu.memory_space<hbm>> -> memref<10000x128xf32, #tpu.memory_space<hbm>>
        tpu.enqueue_indirect_dma source(%dma_start3A_21 : memref<10000x128xf32, #tpu.memory_space<hbm>>) target(%arg8 : memref<125x128xf32, #tpu.memory_space<vmem>>) offsets(%dma_start3A_18 : memref<125xi32, #tpu.memory_space<vmem>>) semaphore(%run_scoped3A : memref<!tpu.dma_semaphore, #tpu.memory_space<semaphore_mem>>)
        %dma_wait3A = arith.constant 0 : i32
        %dma_wait3A_22 = tpu.memref_slice %arg6[%scan3A_16, %dma_wait3A] : memref<80x125xi32, #tpu.memory_space<vmem>> -> memref<1x125xi32, #tpu.memory_space<vmem>>
        %dma_wait3A_23 = tpu.memref_squeeze %dma_wait3A_22 : memref<1x125xi32, #tpu.memory_space<vmem>> -> memref<125xi32, #tpu.memory_space<vmem>>
        %dma_wait3A_24 = arith.constant 0 : i32
        %dma_wait3A_25 = arith.constant 0 : i32
        %dma_wait3A_26 = tpu.memref_slice %arg2[%dma_wait3A_24, %dma_wait3A_25] : memref<10000x128xf32, #tpu.memory_space<hbm>> -> memref<10000x128xf32, #tpu.memory_space<hbm>>
        tpu.wait_indirect_dma semaphore(%run_scoped3A : memref<!tpu.dma_semaphore, #tpu.memory_space<semaphore_mem>>) src(%dma_wait3A_26 : memref<10000x128xf32, #tpu.memory_space<hbm>>) dst(%arg8 : memref<125x128xf32, #tpu.memory_space<vmem>>)
        tpu.yield
      }) : () -> ()
      "tpu.region"() ({
        %run_scoped3A = tpu.sem_alloc : memref<!tpu.dma_semaphore, #tpu.memory_space<semaphore_mem>>
        %dma_start3A = arith.constant 0 : i32
        %dma_start3A_17 = tpu.memref_slice %arg7[%scan3A_16, %dma_start3A] : memref<80x125xi32, #tpu.memory_space<vmem>> -> memref<1x125xi32, #tpu.memory_space<vmem>>
        %dma_start3A_18 = tpu.memref_squeeze %dma_start3A_17 : memref<1x125xi32, #tpu.memory_space<vmem>> -> memref<125xi32, #tpu.memory_space<vmem>>
        %dma_start3A_19 = arith.constant 0 : i32
        %dma_start3A_20 = arith.constant 0 : i32
        %dma_start3A_21 = tpu.memref_slice %arg9[%dma_start3A_19, %dma_start3A_20] : memref<10000x128xf32, #tpu.memory_space<vmem_shared>> -> memref<10000x128xf32, #tpu.memory_space<vmem_shared>>
        tpu.enqueue_indirect_dma source(%arg8 : memref<125x128xf32, #tpu.memory_space<vmem>>) target(%dma_start3A_21 : memref<10000x128xf32, #tpu.memory_space<vmem_shared>>) offsets(%dma_start3A_18 : memref<125xi32, #tpu.memory_space<vmem>>) semaphore(%run_scoped3A : memref<!tpu.dma_semaphore, #tpu.memory_space<semaphore_mem>>) {add = true}
        %dma_wait3A = arith.constant 0 : i32
        %dma_wait3A_22 = tpu.memref_slice %arg7[%scan3A_16, %dma_wait3A] : memref<80x125xi32, #tpu.memory_space<vmem>> -> memref<1x125xi32, #tpu.memory_space<vmem>>
        %dma_wait3A_23 = tpu.memref_squeeze %dma_wait3A_22 : memref<1x125xi32, #tpu.memory_space<vmem>> -> memref<125xi32, #tpu.memory_space<vmem>>
        %dma_wait3A_24 = arith.constant 0 : i32
        %dma_wait3A_25 = arith.constant 0 : i32
        %dma_wait3A_26 = tpu.memref_slice %arg9[%dma_wait3A_24, %dma_wait3A_25] : memref<10000x128xf32, #tpu.memory_space<vmem_shared>> -> memref<10000x128xf32, #tpu.memory_space<vmem_shared>>
        tpu.wait_indirect_dma semaphore(%run_scoped3A : memref<!tpu.dma_semaphore, #tpu.memory_space<semaphore_mem>>) src(%arg8 : memref<125x128xf32, #tpu.memory_space<vmem>>) dst(%dma_wait3A_26 : memref<10000x128xf32, #tpu.memory_space<vmem_shared>>)
        tpu.yield
      }) : () -> ()
    }
    %scan3A_9 = arith.constant 80 : i32
    %barrier3A_10 = arith.constant 0 : index
    tpu.barrier barrier_id(%barrier3A_10)
    %lt3A_11 = arith.constant 10 : i32
    %lt3A_12 = arith.cmpi slt, %arg1, %lt3A_11 : i32
    %convert_element_type3A_13 = arith.extui %lt3A_12 : i1 to i32
    %cond3A_14 = arith.constant 0 : i32
    %cond3A_15 = arith.cmpi ne, %convert_element_type3A_13, %cond3A_14 : i32
    scf.if %cond3A_15 {
      "tpu.region"() ({
        %run_scoped3A = tpu.sem_alloc : memref<!tpu.dma_semaphore, #tpu.memory_space<semaphore_mem>>
        %dma_start3A = arith.constant 0 : i32
        %dma_start3A_16 = arith.constant 0 : i32
        %dma_start3A_17 = tpu.memref_slice %arg5[%arg0, %dma_start3A, %dma_start3A_16] : memref<2x10000x128xf32, #tpu.memory_space<hbm>> -> memref<1x10000x128xf32, #tpu.memory_space<hbm>>
        %dma_start3A_18 = tpu.memref_squeeze %dma_start3A_17 : memref<1x10000x128xf32, #tpu.memory_space<hbm>> -> memref<10000x128xf32, #tpu.memory_space<hbm>>
        %dma_start3A_19 = arith.constant 0 : i32
        %dma_start3A_20 = tpu.memref_slice %dma_start3A_18[%multiple_of3A, %dma_start3A_19] : memref<10000x128xf32, #tpu.memory_space<hbm>> -> memref<1000x128xf32, #tpu.memory_space<hbm>>
        %dma_start3A_21 = arith.constant 0 : i32
        %dma_start3A_22 = tpu.memref_slice %arg9[%multiple_of3A, %dma_start3A_21] : memref<10000x128xf32, #tpu.memory_space<vmem_shared>> -> memref<1000x128xf32, #tpu.memory_space<vmem_shared>>
        tpu.enqueue_dma source(%dma_start3A_22 : memref<1000x128xf32, #tpu.memory_space<vmem_shared>>) target(%dma_start3A_20 : memref<1000x128xf32, #tpu.memory_space<hbm>>) target_semaphore(%run_scoped3A : memref<!tpu.dma_semaphore, #tpu.memory_space<semaphore_mem>>)
        %dma_wait3A = arith.constant 0 : i32
        %dma_wait3A_23 = arith.constant 0 : i32
        %dma_wait3A_24 = tpu.memref_slice %arg5[%arg0, %dma_wait3A, %dma_wait3A_23] : memref<2x10000x128xf32, #tpu.memory_space<hbm>> -> memref<1x10000x128xf32, #tpu.memory_space<hbm>>
        %dma_wait3A_25 = tpu.memref_squeeze %dma_wait3A_24 : memref<1x10000x128xf32, #tpu.memory_space<hbm>> -> memref<10000x128xf32, #tpu.memory_space<hbm>>
        %dma_wait3A_26 = arith.constant 0 : i32
        %dma_wait3A_27 = tpu.memref_slice %dma_wait3A_25[%multiple_of3A, %dma_wait3A_26] : memref<10000x128xf32, #tpu.memory_space<hbm>> -> memref<1000x128xf32, #tpu.memory_space<hbm>>
        %dma_wait3A_28 = arith.constant 0 : i32
        %dma_wait3A_29 = tpu.memref_slice %arg9[%multiple_of3A, %dma_wait3A_28] : memref<10000x128xf32, #tpu.memory_space<vmem_shared>> -> memref<1000x128xf32, #tpu.memory_space<vmem_shared>>
        tpu.wait_dma2 semaphore(%run_scoped3A : memref<!tpu.dma_semaphore, #tpu.memory_space<semaphore_mem>>) src(%dma_wait3A_29 : memref<1000x128xf32, #tpu.memory_space<vmem_shared>>) dst(%dma_wait3A_27 : memref<1000x128xf32, #tpu.memory_space<hbm>>)
        tpu.yield
      }) : () -> ()
    } else {
    }
    return
  }
}

#map = affine_map<(d0, d1) -> (0, 0)>
#map1 = affine_map<(d0, d1) -> (0, 0, 0)>
module attributes {stable_mosaic.version = 14 : i64} {
  func.func @k(%arg0: i32, %arg1: i32, %arg2: memref<10000x64xf32, #tpu.memory_space<hbm>>, %arg3: memref<32x80x125xi32, #tpu.memory_space<hbm>>, %arg4: memref<32x80x125xi32, #tpu.memory_space<hbm>>, %arg5: memref<2x10000x64xf32, #tpu.memory_space<hbm>>, %arg6: memref<80x125xi32, #tpu.memory_space<vmem>>, %arg7: memref<80x125xi32, #tpu.memory_space<vmem>>, %arg8: memref<125x64xf32, #tpu.memory_space<vmem>>, %arg9: memref<10000x64xf32, #tpu.memory_space<vmem_shared>>) attributes {dimension_semantics = [#tpu.dimension_semantics<core_parallel>, #tpu.dimension_semantics<subcore_parallel>], iteration_bounds = array<i64: 2, 16>, scalar_prefetch = 0 : i64, scratch_operands = 4 : i64, tpu.core_type = #tpu.core_type<sc_vector_subcore>, window_params = [{transform_indices = #map}, {transform_indices = #map1}, {transform_indices = #map1}, {transform_indices = #map1}]} {
    %mul3A = arith.constant 16 : i32
    %mul3A_0 = arith.muli %arg0, %mul3A : i32
    %add3A = arith.addi %mul3A_0, %arg1 : i32
    %mul3A_1 = arith.constant 1000 : i32
    %mul3A_2 = arith.muli %arg1, %mul3A_1 : i32
    %multiple_of3A = tpu.assume_multiple %mul3A_2, 8 : i32
    %lt3A = arith.constant 10 : i32
    %lt3A_3 = arith.cmpi slt, %arg1, %lt3A : i32
    %convert_element_type3A = arith.extui %lt3A_3 : i1 to i32
    %cond3A = arith.constant 0 : i32
    %cond3A_4 = arith.cmpi ne, %convert_element_type3A, %cond3A : i32
    scf.if %cond3A_4 {
      "tpu.region"() ({
        %run_scoped3A = tpu.sem_alloc : memref<!tpu.dma_semaphore, #tpu.memory_space<semaphore_mem>>
        %dma_start3A = arith.constant 0 : i32
        %dma_start3A_16 = tpu.memref_slice %arg9[%multiple_of3A, %dma_start3A] : memref<10000x64xf32, #tpu.memory_space<vmem_shared>> -> memref<1000x64xf32, #tpu.memory_space<vmem_shared>>
        %dma_start3A_17 = arith.constant 0 : i32
        %dma_start3A_18 = tpu.memref_slice %arg2[%multiple_of3A, %dma_start3A_17] : memref<10000x64xf32, #tpu.memory_space<hbm>> -> memref<1000x64xf32, #tpu.memory_space<hbm>>
        tpu.enqueue_dma source(%dma_start3A_18 : memref<1000x64xf32, #tpu.memory_space<hbm>>) target(%dma_start3A_16 : memref<1000x64xf32, #tpu.memory_space<vmem_shared>>) target_semaphore(%run_scoped3A : memref<!tpu.dma_semaphore, #tpu.memory_space<semaphore_mem>>)
        %dma_wait3A = arith.constant 0 : i32
        %dma_wait3A_19 = tpu.memref_slice %arg9[%multiple_of3A, %dma_wait3A] : memref<10000x64xf32, #tpu.memory_space<vmem_shared>> -> memref<1000x64xf32, #tpu.memory_space<vmem_shared>>
        %dma_wait3A_20 = arith.constant 0 : i32
        %dma_wait3A_21 = tpu.memref_slice %arg2[%multiple_of3A, %dma_wait3A_20] : memref<10000x64xf32, #tpu.memory_space<hbm>> -> memref<1000x64xf32, #tpu.memory_space<hbm>>
        tpu.wait_dma2 semaphore(%run_scoped3A : memref<!tpu.dma_semaphore, #tpu.memory_space<semaphore_mem>>) src(%dma_wait3A_21 : memref<1000x64xf32, #tpu.memory_space<hbm>>) dst(%dma_wait3A_19 : memref<1000x64xf32, #tpu.memory_space<vmem_shared>>)
        tpu.yield
      }) : () -> ()
    } else {
    }
    "tpu.region"() ({
      %run_scoped3A = tpu.sem_alloc : memref<!tpu.dma_semaphore, #tpu.memory_space<semaphore_mem>>
      %dma_start3A = arith.constant 0 : i32
      %dma_start3A_16 = arith.constant 0 : i32
      %dma_start3A_17 = tpu.memref_slice %arg3[%add3A, %dma_start3A, %dma_start3A_16] : memref<32x80x125xi32, #tpu.memory_space<hbm>> -> memref<1x80x125xi32, #tpu.memory_space<hbm>>
      %dma_start3A_18 = tpu.memref_squeeze %dma_start3A_17 : memref<1x80x125xi32, #tpu.memory_space<hbm>> -> memref<80x125xi32, #tpu.memory_space<hbm>>
      %dma_start3A_19 = arith.constant 0 : i32
      %dma_start3A_20 = arith.constant 0 : i32
      %dma_start3A_21 = tpu.memref_slice %arg3[%add3A, %dma_start3A_19, %dma_start3A_20] : memref<32x80x125xi32, #tpu.memory_space<hbm>> -> memref<1x80x125xi32, #tpu.memory_space<hbm>>
      %dma_start3A_22 = tpu.memref_squeeze %dma_start3A_21 : memref<1x80x125xi32, #tpu.memory_space<hbm>> -> memref<80x125xi32, #tpu.memory_space<hbm>>
      tpu.enqueue_dma source(%dma_start3A_22 : memref<80x125xi32, #tpu.memory_space<hbm>>) target(%arg6 : memref<80x125xi32, #tpu.memory_space<vmem>>) target_semaphore(%run_scoped3A : memref<!tpu.dma_semaphore, #tpu.memory_space<semaphore_mem>>)
      %dma_wait3A = arith.constant 0 : i32
      %dma_wait3A_23 = arith.constant 0 : i32
      %dma_wait3A_24 = tpu.memref_slice %arg3[%add3A, %dma_wait3A, %dma_wait3A_23] : memref<32x80x125xi32, #tpu.memory_space<hbm>> -> memref<1x80x125xi32, #tpu.memory_space<hbm>>
      %dma_wait3A_25 = tpu.memref_squeeze %dma_wait3A_24 : memref<1x80x125xi32, #tpu.memory_space<hbm>> -> memref<80x125xi32, #tpu.memory_space<hbm>>
      %dma_wait3A_26 = arith.constant 0 : i32
      %dma_wait3A_27 = arith.constant 0 : i32
      %dma_wait3A_28 = tpu.memref_slice %arg3[%add3A, %dma_wait3A_26, %dma_wait3A_27] : memref<32x80x125xi32, #tpu.memory_space<hbm>> -> memref<1x80x125xi32, #tpu.memory_space<hbm>>
      %dma_wait3A_29 = tpu.memref_squeeze %dma_wait3A_28 : memref<1x80x125xi32, #tpu.memory_space<hbm>> -> memref<80x125xi32, #tpu.memory_space<hbm>>
      tpu.wait_dma2 semaphore(%run_scoped3A : memref<!tpu.dma_semaphore, #tpu.memory_space<semaphore_mem>>) src(%dma_wait3A_29 : memref<80x125xi32, #tpu.memory_space<hbm>>) dst(%arg6 : memref<80x125xi32, #tpu.memory_space<vmem>>)
      tpu.yield
    }) : () -> ()
    "tpu.region"() ({
      %run_scoped3A = tpu.sem_alloc : memref<!tpu.dma_semaphore, #tpu.memory_space<semaphore_mem>>
      %dma_start3A = arith.constant 0 : i32
      %dma_start3A_16 = arith.constant 0 : i32
      %dma_start3A_17 = tpu.memref_slice %arg4[%add3A, %dma_start3A, %dma_start3A_16] : memref<32x80x125xi32, #tpu.memory_space<hbm>> -> memref<1x80x125xi32, #tpu.memory_space<hbm>>
      %dma_start3A_18 = tpu.memref_squeeze %dma_start3A_17 : memref<1x80x125xi32, #tpu.memory_space<hbm>> -> memref<80x125xi32, #tpu.memory_space<hbm>>
      %dma_start3A_19 = arith.constant 0 : i32
      %dma_start3A_20 = arith.constant 0 : i32
      %dma_start3A_21 = tpu.memref_slice %arg4[%add3A, %dma_start3A_19, %dma_start3A_20] : memref<32x80x125xi32, #tpu.memory_space<hbm>> -> memref<1x80x125xi32, #tpu.memory_space<hbm>>
      %dma_start3A_22 = tpu.memref_squeeze %dma_start3A_21 : memref<1x80x125xi32, #tpu.memory_space<hbm>> -> memref<80x125xi32, #tpu.memory_space<hbm>>
      tpu.enqueue_dma source(%dma_start3A_22 : memref<80x125xi32, #tpu.memory_space<hbm>>) target(%arg7 : memref<80x125xi32, #tpu.memory_space<vmem>>) target_semaphore(%run_scoped3A : memref<!tpu.dma_semaphore, #tpu.memory_space<semaphore_mem>>)
      %dma_wait3A = arith.constant 0 : i32
      %dma_wait3A_23 = arith.constant 0 : i32
      %dma_wait3A_24 = tpu.memref_slice %arg4[%add3A, %dma_wait3A, %dma_wait3A_23] : memref<32x80x125xi32, #tpu.memory_space<hbm>> -> memref<1x80x125xi32, #tpu.memory_space<hbm>>
      %dma_wait3A_25 = tpu.memref_squeeze %dma_wait3A_24 : memref<1x80x125xi32, #tpu.memory_space<hbm>> -> memref<80x125xi32, #tpu.memory_space<hbm>>
      %dma_wait3A_26 = arith.constant 0 : i32
      %dma_wait3A_27 = arith.constant 0 : i32
      %dma_wait3A_28 = tpu.memref_slice %arg4[%add3A, %dma_wait3A_26, %dma_wait3A_27] : memref<32x80x125xi32, #tpu.memory_space<hbm>> -> memref<1x80x125xi32, #tpu.memory_space<hbm>>
      %dma_wait3A_29 = tpu.memref_squeeze %dma_wait3A_28 : memref<1x80x125xi32, #tpu.memory_space<hbm>> -> memref<80x125xi32, #tpu.memory_space<hbm>>
      tpu.wait_dma2 semaphore(%run_scoped3A : memref<!tpu.dma_semaphore, #tpu.memory_space<semaphore_mem>>) src(%dma_wait3A_29 : memref<80x125xi32, #tpu.memory_space<hbm>>) dst(%arg7 : memref<80x125xi32, #tpu.memory_space<vmem>>)
      tpu.yield
    }) : () -> ()
    %barrier3A = arith.constant 0 : index
    tpu.barrier barrier_id(%barrier3A)
    %scan3A = arith.constant 0 : i32
    %scan3A_5 = arith.constant 0 : i32
    %scan3A_6 = arith.constant 80 : i32
    %scan3A_7 = arith.addi %scan3A_5, %scan3A_6 : i32
    %scan3A_8 = arith.constant 1 : i32
    scf.for %scan3A_16 = %scan3A_5 to %scan3A_7 step %scan3A_8  : i32 {
      "tpu.region"() ({
        %run_scoped3A = tpu.sem_alloc : memref<!tpu.dma_semaphore, #tpu.memory_space<semaphore_mem>>
        %dma_start3A = arith.constant 0 : i32
        %dma_start3A_17 = tpu.memref_slice %arg6[%scan3A_16, %dma_start3A] : memref<80x125xi32, #tpu.memory_space<vmem>> -> memref<1x125xi32, #tpu.memory_space<vmem>>
        %dma_start3A_18 = tpu.memref_squeeze %dma_start3A_17 : memref<1x125xi32, #tpu.memory_space<vmem>> -> memref<125xi32, #tpu.memory_space<vmem>>
        %dma_start3A_19 = arith.constant 0 : i32
        %dma_start3A_20 = arith.constant 0 : i32
        %dma_start3A_21 = tpu.memref_slice %arg2[%dma_start3A_19, %dma_start3A_20] : memref<10000x64xf32, #tpu.memory_space<hbm>> -> memref<10000x64xf32, #tpu.memory_space<hbm>>
        tpu.enqueue_indirect_dma source(%dma_start3A_21 : memref<10000x64xf32, #tpu.memory_space<hbm>>) target(%arg8 : memref<125x64xf32, #tpu.memory_space<vmem>>) offsets(%dma_start3A_18 : memref<125xi32, #tpu.memory_space<vmem>>) semaphore(%run_scoped3A : memref<!tpu.dma_semaphore, #tpu.memory_space<semaphore_mem>>)
        %dma_wait3A = arith.constant 0 : i32
        %dma_wait3A_22 = tpu.memref_slice %arg6[%scan3A_16, %dma_wait3A] : memref<80x125xi32, #tpu.memory_space<vmem>> -> memref<1x125xi32, #tpu.memory_space<vmem>>
        %dma_wait3A_23 = tpu.memref_squeeze %dma_wait3A_22 : memref<1x125xi32, #tpu.memory_space<vmem>> -> memref<125xi32, #tpu.memory_space<vmem>>
        %dma_wait3A_24 = arith.constant 0 : i32
        %dma_wait3A_25 = arith.constant 0 : i32
        %dma_wait3A_26 = tpu.memref_slice %arg2[%dma_wait3A_24, %dma_wait3A_25] : memref<10000x64xf32, #tpu.memory_space<hbm>> -> memref<10000x64xf32, #tpu.memory_space<hbm>>
        tpu.wait_indirect_dma semaphore(%run_scoped3A : memref<!tpu.dma_semaphore, #tpu.memory_space<semaphore_mem>>) src(%dma_wait3A_26 : memref<10000x64xf32, #tpu.memory_space<hbm>>) dst(%arg8 : memref<125x64xf32, #tpu.memory_space<vmem>>)
        tpu.yield
      }) : () -> ()
      "tpu.region"() ({
        %run_scoped3A = tpu.sem_alloc : memref<!tpu.dma_semaphore, #tpu.memory_space<semaphore_mem>>
        %dma_start3A = arith.constant 0 : i32
        %dma_start3A_17 = tpu.memref_slice %arg7[%scan3A_16, %dma_start3A] : memref<80x125xi32, #tpu.memory_space<vmem>> -> memref<1x125xi32, #tpu.memory_space<vmem>>
        %dma_start3A_18 = tpu.memref_squeeze %dma_start3A_17 : memref<1x125xi32, #tpu.memory_space<vmem>> -> memref<125xi32, #tpu.memory_space<vmem>>
        %dma_start3A_19 = arith.constant 0 : i32
        %dma_start3A_20 = arith.constant 0 : i32
        %dma_start3A_21 = tpu.memref_slice %arg9[%dma_start3A_19, %dma_start3A_20] : memref<10000x64xf32, #tpu.memory_space<vmem_shared>> -> memref<10000x64xf32, #tpu.memory_space<vmem_shared>>
        tpu.enqueue_indirect_dma source(%arg8 : memref<125x64xf32, #tpu.memory_space<vmem>>) target(%dma_start3A_21 : memref<10000x64xf32, #tpu.memory_space<vmem_shared>>) offsets(%dma_start3A_18 : memref<125xi32, #tpu.memory_space<vmem>>) semaphore(%run_scoped3A : memref<!tpu.dma_semaphore, #tpu.memory_space<semaphore_mem>>) {add = true}
        %dma_wait3A = arith.constant 0 : i32
        %dma_wait3A_22 = tpu.memref_slice %arg7[%scan3A_16, %dma_wait3A] : memref<80x125xi32, #tpu.memory_space<vmem>> -> memref<1x125xi32, #tpu.memory_space<vmem>>
        %dma_wait3A_23 = tpu.memref_squeeze %dma_wait3A_22 : memref<1x125xi32, #tpu.memory_space<vmem>> -> memref<125xi32, #tpu.memory_space<vmem>>
        %dma_wait3A_24 = arith.constant 0 : i32
        %dma_wait3A_25 = arith.constant 0 : i32
        %dma_wait3A_26 = tpu.memref_slice %arg9[%dma_wait3A_24, %dma_wait3A_25] : memref<10000x64xf32, #tpu.memory_space<vmem_shared>> -> memref<10000x64xf32, #tpu.memory_space<vmem_shared>>
        tpu.wait_indirect_dma semaphore(%run_scoped3A : memref<!tpu.dma_semaphore, #tpu.memory_space<semaphore_mem>>) src(%arg8 : memref<125x64xf32, #tpu.memory_space<vmem>>) dst(%dma_wait3A_26 : memref<10000x64xf32, #tpu.memory_space<vmem_shared>>)
        tpu.yield
      }) : () -> ()
    }
    %scan3A_9 = arith.constant 80 : i32
    %barrier3A_10 = arith.constant 0 : index
    tpu.barrier barrier_id(%barrier3A_10)
    %lt3A_11 = arith.constant 10 : i32
    %lt3A_12 = arith.cmpi slt, %arg1, %lt3A_11 : i32
    %convert_element_type3A_13 = arith.extui %lt3A_12 : i1 to i32
    %cond3A_14 = arith.constant 0 : i32
    %cond3A_15 = arith.cmpi ne, %convert_element_type3A_13, %cond3A_14 : i32
    scf.if %cond3A_15 {
      "tpu.region"() ({
        %run_scoped3A = tpu.sem_alloc : memref<!tpu.dma_semaphore, #tpu.memory_space<semaphore_mem>>
        %dma_start3A = arith.constant 0 : i32
        %dma_start3A_16 = arith.constant 0 : i32
        %dma_start3A_17 = tpu.memref_slice %arg5[%arg0, %dma_start3A, %dma_start3A_16] : memref<2x10000x64xf32, #tpu.memory_space<hbm>> -> memref<1x10000x64xf32, #tpu.memory_space<hbm>>
        %dma_start3A_18 = tpu.memref_squeeze %dma_start3A_17 : memref<1x10000x64xf32, #tpu.memory_space<hbm>> -> memref<10000x64xf32, #tpu.memory_space<hbm>>
        %dma_start3A_19 = arith.constant 0 : i32
        %dma_start3A_20 = tpu.memref_slice %dma_start3A_18[%multiple_of3A, %dma_start3A_19] : memref<10000x64xf32, #tpu.memory_space<hbm>> -> memref<1000x64xf32, #tpu.memory_space<hbm>>
        %dma_start3A_21 = arith.constant 0 : i32
        %dma_start3A_22 = tpu.memref_slice %arg9[%multiple_of3A, %dma_start3A_21] : memref<10000x64xf32, #tpu.memory_space<vmem_shared>> -> memref<1000x64xf32, #tpu.memory_space<vmem_shared>>
        tpu.enqueue_dma source(%dma_start3A_22 : memref<1000x64xf32, #tpu.memory_space<vmem_shared>>) target(%dma_start3A_20 : memref<1000x64xf32, #tpu.memory_space<hbm>>) target_semaphore(%run_scoped3A : memref<!tpu.dma_semaphore, #tpu.memory_space<semaphore_mem>>)
        %dma_wait3A = arith.constant 0 : i32
        %dma_wait3A_23 = arith.constant 0 : i32
        %dma_wait3A_24 = tpu.memref_slice %arg5[%arg0, %dma_wait3A, %dma_wait3A_23] : memref<2x10000x64xf32, #tpu.memory_space<hbm>> -> memref<1x10000x64xf32, #tpu.memory_space<hbm>>
        %dma_wait3A_25 = tpu.memref_squeeze %dma_wait3A_24 : memref<1x10000x64xf32, #tpu.memory_space<hbm>> -> memref<10000x64xf32, #tpu.memory_space<hbm>>
        %dma_wait3A_26 = arith.constant 0 : i32
        %dma_wait3A_27 = tpu.memref_slice %dma_wait3A_25[%multiple_of3A, %dma_wait3A_26] : memref<10000x64xf32, #tpu.memory_space<hbm>> -> memref<1000x64xf32, #tpu.memory_space<hbm>>
        %dma_wait3A_28 = arith.constant 0 : i32
        %dma_wait3A_29 = tpu.memref_slice %arg9[%multiple_of3A, %dma_wait3A_28] : memref<10000x64xf32, #tpu.memory_space<vmem_shared>> -> memref<1000x64xf32, #tpu.memory_space<vmem_shared>>
        tpu.wait_dma2 semaphore(%run_scoped3A : memref<!tpu.dma_semaphore, #tpu.memory_space<semaphore_mem>>) src(%dma_wait3A_29 : memref<1000x64xf32, #tpu.memory_space<vmem_shared>>) dst(%dma_wait3A_27 : memref<1000x64xf32, #tpu.memory_space<hbm>>)
        tpu.yield
      }) : () -> ()
    } else {
    }
    return
  }
}

module attributes {stable_mosaic.version = 14 : i64} {
  func.func @_mlp1_body(%arg0: i32, %arg1: memref<2000x128xf32, #tpu.memory_space<vmem>>, %arg2: memref<2000x128xf32, #tpu.memory_space<vmem>>, %arg3: memref<2000x128xf32, #tpu.memory_space<vmem>>, %arg4: memref<128x64xf32, #tpu.memory_space<vmem>>, %arg5: memref<1x64xf32, #tpu.memory_space<vmem>>, %arg6: memref<64x64xf32, #tpu.memory_space<vmem>>, %arg7: memref<1x64xf32, #tpu.memory_space<vmem>>, %arg8: memref<2000x64xf32, #tpu.memory_space<vmem>>) attributes {dimension_semantics = [#tpu.dimension_semantics<arbitrary>], iteration_bounds = array<i64: 5>, scalar_prefetch = 0 : i64, scratch_operands = 0 : i64, tpu.core_type = #tpu.core_type<tc>, window_params = [{transform_indices = @transform_0, window_bounds = array<i64: 2000, 128>}, {transform_indices = @transform_1, window_bounds = array<i64: 2000, 128>}, {transform_indices = @transform_2, window_bounds = array<i64: 2000, 128>}, {pipeline_mode = #tpu.pipeline_mode<synchronous>, transform_indices = @transform_3, window_bounds = array<i64: 128, 64>}, {pipeline_mode = #tpu.pipeline_mode<synchronous>, transform_indices = @transform_4, window_bounds = array<i64: 1, 64>}, {pipeline_mode = #tpu.pipeline_mode<synchronous>, transform_indices = @transform_5, window_bounds = array<i64: 64, 64>}, {pipeline_mode = #tpu.pipeline_mode<synchronous>, transform_indices = @transform_6, window_bounds = array<i64: 1, 64>}, {transform_indices = @transform_7, window_bounds = array<i64: 2000, 64>}]} {
    %get3A = arith.constant 0 : index
    %get3A_0 = arith.constant 0 : index
    %get3A_1 = vector.load %arg1[%get3A, %get3A_0] : memref<2000x128xf32, #tpu.memory_space<vmem>>, vector<2000x128xf32>
    %get3A_2 = arith.constant 0 : index
    %get3A_3 = arith.constant 0 : index
    %get3A_4 = vector.load %arg2[%get3A_2, %get3A_3] : memref<2000x128xf32, #tpu.memory_space<vmem>>, vector<2000x128xf32>
    %add3A = arith.addf %get3A_1, %get3A_4 : vector<2000x128xf32>
    %get3A_5 = arith.constant 0 : index
    %get3A_6 = arith.constant 0 : index
    %get3A_7 = vector.load %arg3[%get3A_5, %get3A_6] : memref<2000x128xf32, #tpu.memory_space<vmem>>, vector<2000x128xf32>
    %sub3A = arith.subf %add3A, %get3A_7 : vector<2000x128xf32>
    %get3A_8 = arith.constant 0 : index
    %get3A_9 = arith.constant 0 : index
    %get3A_10 = vector.load %arg4[%get3A_8, %get3A_9] : memref<128x64xf32, #tpu.memory_space<vmem>>, vector<128x64xf32>
    %dot_general3A = arith.constant dense<0.000000e+00> : vector<2000x64xf32>
    %dot_general3A_11 = tpu.matmul %sub3A, %get3A_10, %dot_general3A {dimension_numbers = #tpu.dot_dimension_numbers<[1], [0], [0], [1], [0, 0, 1, 1], [], []>, transpose_lhs_hint = false} : vector<2000x128xf32>, vector<128x64xf32>, vector<2000x64xf32> -> vector<2000x64xf32>
    %get3A_12 = arith.constant 0 : index
    %get3A_13 = arith.constant 0 : index
    %get3A_14 = vector.load %arg5[%get3A_12, %get3A_13] : memref<1x64xf32, #tpu.memory_space<vmem>>, vector<1x64xf32>
    %add3A_15 = vector.broadcast %get3A_14 : vector<1x64xf32> to vector<2000x64xf32>
    %add3A_16 = arith.addf %dot_general3A_11, %add3A_15 : vector<2000x64xf32>
    %max3A = arith.constant 0.000000e+00 : f32
    %max3A_17 = vector.broadcast %max3A : f32 to vector<2000x64xf32>
    %max3A_18 = arith.maximumf %add3A_16, %max3A_17 : vector<2000x64xf32>
    %get3A_19 = arith.constant 0 : index
    %get3A_20 = arith.constant 0 : index
    %get3A_21 = vector.load %arg6[%get3A_19, %get3A_20] : memref<64x64xf32, #tpu.memory_space<vmem>>, vector<64x64xf32>
    %dot_general3A_22 = arith.constant dense<0.000000e+00> : vector<2000x64xf32>
    %dot_general3A_23 = tpu.matmul %max3A_18, %get3A_21, %dot_general3A_22 {dimension_numbers = #tpu.dot_dimension_numbers<[1], [0], [0], [1], [0, 0, 1, 1], [], []>, transpose_lhs_hint = false} : vector<2000x64xf32>, vector<64x64xf32>, vector<2000x64xf32> -> vector<2000x64xf32>
    %get3A_24 = arith.constant 0 : index
    %get3A_25 = arith.constant 0 : index
    %get3A_26 = vector.load %arg7[%get3A_24, %get3A_25] : memref<1x64xf32, #tpu.memory_space<vmem>>, vector<1x64xf32>
    %add3A_27 = vector.broadcast %get3A_26 : vector<1x64xf32> to vector<2000x64xf32>
    %add3A_28 = arith.addf %dot_general3A_23, %add3A_27 : vector<2000x64xf32>
    %max3A_29 = arith.constant 0.000000e+00 : f32
    %max3A_30 = vector.broadcast %max3A_29 : f32 to vector<2000x64xf32>
    %max3A_31 = arith.maximumf %add3A_28, %max3A_30 : vector<2000x64xf32>
    %swap3A = arith.constant 0 : index
    %swap3A_32 = arith.constant 0 : index
    %swap3A_33 = vector.load %arg8[%swap3A, %swap3A_32] : memref<2000x64xf32, #tpu.memory_space<vmem>>, vector<2000x64xf32>
    tpu.vector_store %arg8[%swap3A, %swap3A_32], %max3A_31 {strides = array<i32>} : memref<2000x64xf32, #tpu.memory_space<vmem>>, vector<2000x64xf32>,
    return
  }
  func.func @transform_0(%arg0: i32) -> (i32, i32) {
    %c0_i32 = arith.constant 0 : i32
    %c0_i32_0 = arith.constant 0 : i32
    return %arg0, %c0_i32 : i32, i32
  }
  func.func @transform_1(%arg0: i32) -> (i32, i32) {
    %c0_i32 = arith.constant 0 : i32
    %c0_i32_0 = arith.constant 0 : i32
    return %arg0, %c0_i32 : i32, i32
  }
  func.func @transform_2(%arg0: i32) -> (i32, i32) {
    %c0_i32 = arith.constant 0 : i32
    %c0_i32_0 = arith.constant 0 : i32
    return %arg0, %c0_i32 : i32, i32
  }
  func.func @transform_3(%arg0: i32) -> (i32, i32) {
    %c0_i32 = arith.constant 0 : i32
    %c0_i32_0 = arith.constant 0 : i32
    %c0_i32_1 = arith.constant 0 : i32
    return %c0_i32, %c0_i32_0 : i32, i32
  }
  func.func @transform_4(%arg0: i32) -> (i32, i32) {
    %c0_i32 = arith.constant 0 : i32
    %c0_i32_0 = arith.constant 0 : i32
    %c0_i32_1 = arith.constant 0 : i32
    return %c0_i32, %c0_i32_0 : i32, i32
  }
  func.func @transform_5(%arg0: i32) -> (i32, i32) {
    %c0_i32 = arith.constant 0 : i32
    %c0_i32_0 = arith.constant 0 : i32
    %c0_i32_1 = arith.constant 0 : i32
    return %c0_i32, %c0_i32_0 : i32, i32
  }
  func.func @transform_6(%arg0: i32) -> (i32, i32) {
    %c0_i32 = arith.constant 0 : i32
    %c0_i32_0 = arith.constant 0 : i32
    %c0_i32_1 = arith.constant 0 : i32
    return %c0_i32, %c0_i32_0 : i32, i32
  }
  func.func @transform_7(%arg0: i32) -> (i32, i32) {
    %c0_i32 = arith.constant 0 : i32
    %c0_i32_0 = arith.constant 0 : i32
    return %arg0, %c0_i32 : i32, i32
  }
}

module attributes {stable_mosaic.version = 14 : i64} {
  func.func @_mlp2_body(%arg0: i32, %arg1: memref<2000x64xf32, #tpu.memory_space<vmem>>, %arg2: memref<2000x64xf32, #tpu.memory_space<vmem>>, %arg3: memref<2000x64xf32, #tpu.memory_space<vmem>>, %arg4: memref<64x64xf32, #tpu.memory_space<vmem>>, %arg5: memref<1x64xf32, #tpu.memory_space<vmem>>, %arg6: memref<64x64xf32, #tpu.memory_space<vmem>>, %arg7: memref<1x64xf32, #tpu.memory_space<vmem>>, %arg8: memref<64x16xf32, #tpu.memory_space<vmem>>, %arg9: memref<1x16xf32, #tpu.memory_space<vmem>>, %arg10: memref<16x1xf32, #tpu.memory_space<vmem>>, %arg11: memref<1x1xf32, #tpu.memory_space<vmem>>, %arg12: memref<2000x1xf32, #tpu.memory_space<vmem>>) attributes {dimension_semantics = [#tpu.dimension_semantics<arbitrary>], iteration_bounds = array<i64: 5>, scalar_prefetch = 0 : i64, scratch_operands = 0 : i64, tpu.core_type = #tpu.core_type<tc>, window_params = [{transform_indices = @transform_0, window_bounds = array<i64: 2000, 64>}, {transform_indices = @transform_1, window_bounds = array<i64: 2000, 64>}, {transform_indices = @transform_2, window_bounds = array<i64: 2000, 64>}, {pipeline_mode = #tpu.pipeline_mode<synchronous>, transform_indices = @transform_3, window_bounds = array<i64: 64, 64>}, {pipeline_mode = #tpu.pipeline_mode<synchronous>, transform_indices = @transform_4, window_bounds = array<i64: 1, 64>}, {pipeline_mode = #tpu.pipeline_mode<synchronous>, transform_indices = @transform_5, window_bounds = array<i64: 64, 64>}, {pipeline_mode = #tpu.pipeline_mode<synchronous>, transform_indices = @transform_6, window_bounds = array<i64: 1, 64>}, {pipeline_mode = #tpu.pipeline_mode<synchronous>, transform_indices = @transform_7, window_bounds = array<i64: 64, 16>}, {pipeline_mode = #tpu.pipeline_mode<synchronous>, transform_indices = @transform_8, window_bounds = array<i64: 1, 16>}, {pipeline_mode = #tpu.pipeline_mode<synchronous>, transform_indices = @transform_9, window_bounds = array<i64: 16, 1>}, {pipeline_mode = #tpu.pipeline_mode<synchronous>, transform_indices = @transform_10, window_bounds = array<i64: 1, 1>}, {transform_indices = @transform_11, window_bounds = array<i64: 2000, 1>}]} {
    %get3A = arith.constant 0 : index
    %get3A_0 = arith.constant 0 : index
    %get3A_1 = vector.load %arg1[%get3A, %get3A_0] : memref<2000x64xf32, #tpu.memory_space<vmem>>, vector<2000x64xf32>
    %get3A_2 = arith.constant 0 : index
    %get3A_3 = arith.constant 0 : index
    %get3A_4 = vector.load %arg2[%get3A_2, %get3A_3] : memref<2000x64xf32, #tpu.memory_space<vmem>>, vector<2000x64xf32>
    %add3A = arith.addf %get3A_1, %get3A_4 : vector<2000x64xf32>
    %get3A_5 = arith.constant 0 : index
    %get3A_6 = arith.constant 0 : index
    %get3A_7 = vector.load %arg3[%get3A_5, %get3A_6] : memref<2000x64xf32, #tpu.memory_space<vmem>>, vector<2000x64xf32>
    %sub3A = arith.subf %add3A, %get3A_7 : vector<2000x64xf32>
    %get3A_8 = arith.constant 0 : index
    %get3A_9 = arith.constant 0 : index
    %get3A_10 = vector.load %arg4[%get3A_8, %get3A_9] : memref<64x64xf32, #tpu.memory_space<vmem>>, vector<64x64xf32>
    %dot_general3A = arith.constant dense<0.000000e+00> : vector<2000x64xf32>
    %dot_general3A_11 = tpu.matmul %sub3A, %get3A_10, %dot_general3A {dimension_numbers = #tpu.dot_dimension_numbers<[1], [0], [0], [1], [0, 0, 1, 1], [], []>, transpose_lhs_hint = false} : vector<2000x64xf32>, vector<64x64xf32>, vector<2000x64xf32> -> vector<2000x64xf32>
    %get3A_12 = arith.constant 0 : index
    %get3A_13 = arith.constant 0 : index
    %get3A_14 = vector.load %arg5[%get3A_12, %get3A_13] : memref<1x64xf32, #tpu.memory_space<vmem>>, vector<1x64xf32>
    %add3A_15 = vector.broadcast %get3A_14 : vector<1x64xf32> to vector<2000x64xf32>
    %add3A_16 = arith.addf %dot_general3A_11, %add3A_15 : vector<2000x64xf32>
    %max3A = arith.constant 0.000000e+00 : f32
    %max3A_17 = vector.broadcast %max3A : f32 to vector<2000x64xf32>
    %max3A_18 = arith.maximumf %add3A_16, %max3A_17 : vector<2000x64xf32>
    %get3A_19 = arith.constant 0 : index
    %get3A_20 = arith.constant 0 : index
    %get3A_21 = vector.load %arg6[%get3A_19, %get3A_20] : memref<64x64xf32, #tpu.memory_space<vmem>>, vector<64x64xf32>
    %dot_general3A_22 = arith.constant dense<0.000000e+00> : vector<2000x64xf32>
    %dot_general3A_23 = tpu.matmul %max3A_18, %get3A_21, %dot_general3A_22 {dimension_numbers = #tpu.dot_dimension_numbers<[1], [0], [0], [1], [0, 0, 1, 1], [], []>, transpose_lhs_hint = false} : vector<2000x64xf32>, vector<64x64xf32>, vector<2000x64xf32> -> vector<2000x64xf32>
    %get3A_24 = arith.constant 0 : index
    %get3A_25 = arith.constant 0 : index
    %get3A_26 = vector.load %arg7[%get3A_24, %get3A_25] : memref<1x64xf32, #tpu.memory_space<vmem>>, vector<1x64xf32>
    %add3A_27 = vector.broadcast %get3A_26 : vector<1x64xf32> to vector<2000x64xf32>
    %add3A_28 = arith.addf %dot_general3A_23, %add3A_27 : vector<2000x64xf32>
    %max3A_29 = arith.constant 0.000000e+00 : f32
    %max3A_30 = vector.broadcast %max3A_29 : f32 to vector<2000x64xf32>
    %max3A_31 = arith.maximumf %add3A_28, %max3A_30 : vector<2000x64xf32>
    %get3A_32 = arith.constant 0 : index
    %get3A_33 = arith.constant 0 : index
    %get3A_34 = vector.load %arg8[%get3A_32, %get3A_33] : memref<64x16xf32, #tpu.memory_space<vmem>>, vector<64x16xf32>
    %dot_general3A_35 = arith.constant dense<0.000000e+00> : vector<2000x16xf32>
    %dot_general3A_36 = tpu.matmul %max3A_31, %get3A_34, %dot_general3A_35 {dimension_numbers = #tpu.dot_dimension_numbers<[1], [0], [0], [1], [0, 0, 1, 1], [], []>, transpose_lhs_hint = false} : vector<2000x64xf32>, vector<64x16xf32>, vector<2000x16xf32> -> vector<2000x16xf32>
    %get3A_37 = arith.constant 0 : index
    %get3A_38 = arith.constant 0 : index
    %get3A_39 = vector.load %arg9[%get3A_37, %get3A_38] : memref<1x16xf32, #tpu.memory_space<vmem>>, vector<1x16xf32>
    %add3A_40 = vector.broadcast %get3A_39 : vector<1x16xf32> to vector<2000x16xf32>
    %add3A_41 = arith.addf %dot_general3A_36, %add3A_40 : vector<2000x16xf32>
    %max3A_42 = arith.constant 0.000000e+00 : f32
    %max3A_43 = vector.broadcast %max3A_42 : f32 to vector<2000x16xf32>
    %max3A_44 = arith.maximumf %add3A_41, %max3A_43 : vector<2000x16xf32>
    %get3A_45 = arith.constant 0 : index
    %get3A_46 = arith.constant 0 : index
    %get3A_47 = vector.load %arg10[%get3A_45, %get3A_46] : memref<16x1xf32, #tpu.memory_space<vmem>>, vector<16x1xf32>
    %dot_general3A_48 = arith.constant dense<0.000000e+00> : vector<2000x1xf32>
    %dot_general3A_49 = tpu.matmul %max3A_44, %get3A_47, %dot_general3A_48 {dimension_numbers = #tpu.dot_dimension_numbers<[1], [0], [0], [1], [0, 0, 1, 1], [], []>, transpose_lhs_hint = false} : vector<2000x16xf32>, vector<16x1xf32>, vector<2000x1xf32> -> vector<2000x1xf32>
    %get3A_50 = arith.constant 0 : index
    %get3A_51 = arith.constant 0 : index
    %get3A_52 = vector.load %arg11[%get3A_50, %get3A_51] : memref<1x1xf32, #tpu.memory_space<vmem>>, vector<1x1xf32>
    %add3A_53 = vector.broadcast %get3A_52 : vector<1x1xf32> to vector<2000x1xf32>
    %add3A_54 = arith.addf %dot_general3A_49, %add3A_53 : vector<2000x1xf32>
    %max3A_55 = arith.constant 0.000000e+00 : f32
    %max3A_56 = vector.broadcast %max3A_55 : f32 to vector<2000x1xf32>
    %max3A_57 = arith.maximumf %add3A_54, %max3A_56 : vector<2000x1xf32>
    %logistic3A = arith.negf %max3A_57 : vector<2000x1xf32>
    %logistic3A_58 = math.exp %logistic3A : vector<2000x1xf32>
    %logistic3A_59 = arith.constant 1.000000e+00 : f32
    %logistic3A_60 = vector.broadcast %logistic3A_59 : f32 to vector<2000x1xf32>
    %logistic3A_61 = arith.addf %logistic3A_60, %logistic3A_58 : vector<2000x1xf32>
    %logistic3A_62 = arith.divf %logistic3A_60, %logistic3A_61 : vector<2000x1xf32>
    %swap3A = arith.constant 0 : index
    %swap3A_63 = arith.constant 0 : index
    %swap3A_64 = vector.load %arg12[%swap3A, %swap3A_63] : memref<2000x1xf32, #tpu.memory_space<vmem>>, vector<2000x1xf32>
    tpu.vector_store %arg12[%swap3A, %swap3A_63], %logistic3A_62 {strides = array<i32>} : memref<2000x1xf32, #tpu.memory_space<vmem>>, vector<2000x1xf32>,
    return
  }
  func.func @transform_0(%arg0: i32) -> (i32, i32) {
    %c0_i32 = arith.constant 0 : i32
    %c0_i32_0 = arith.constant 0 : i32
    return %arg0, %c0_i32 : i32, i32
  }
  func.func @transform_1(%arg0: i32) -> (i32, i32) {
    %c0_i32 = arith.constant 0 : i32
    %c0_i32_0 = arith.constant 0 : i32
    return %arg0, %c0_i32 : i32, i32
  }
  func.func @transform_2(%arg0: i32) -> (i32, i32) {
    %c0_i32 = arith.constant 0 : i32
    %c0_i32_0 = arith.constant 0 : i32
    return %arg0, %c0_i32 : i32, i32
  }
  func.func @transform_3(%arg0: i32) -> (i32, i32) {
    %c0_i32 = arith.constant 0 : i32
    %c0_i32_0 = arith.constant 0 : i32
    %c0_i32_1 = arith.constant 0 : i32
    return %c0_i32, %c0_i32_0 : i32, i32
  }
  func.func @transform_4(%arg0: i32) -> (i32, i32) {
    %c0_i32 = arith.constant 0 : i32
    %c0_i32_0 = arith.constant 0 : i32
    %c0_i32_1 = arith.constant 0 : i32
    return %c0_i32, %c0_i32_0 : i32, i32
  }
  func.func @transform_5(%arg0: i32) -> (i32, i32) {
    %c0_i32 = arith.constant 0 : i32
    %c0_i32_0 = arith.constant 0 : i32
    %c0_i32_1 = arith.constant 0 : i32
    return %c0_i32, %c0_i32_0 : i32, i32
  }
  func.func @transform_6(%arg0: i32) -> (i32, i32) {
    %c0_i32 = arith.constant 0 : i32
    %c0_i32_0 = arith.constant 0 : i32
    %c0_i32_1 = arith.constant 0 : i32
    return %c0_i32, %c0_i32_0 : i32, i32
  }
  func.func @transform_7(%arg0: i32) -> (i32, i32) {
    %c0_i32 = arith.constant 0 : i32
    %c0_i32_0 = arith.constant 0 : i32
    %c0_i32_1 = arith.constant 0 : i32
    return %c0_i32, %c0_i32_0 : i32, i32
  }
  func.func @transform_8(%arg0: i32) -> (i32, i32) {
    %c0_i32 = arith.constant 0 : i32
    %c0_i32_0 = arith.constant 0 : i32
    %c0_i32_1 = arith.constant 0 : i32
    return %c0_i32, %c0_i32_0 : i32, i32
  }
  func.func @transform_9(%arg0: i32) -> (i32, i32) {
    %c0_i32 = arith.constant 0 : i32
    %c0_i32_0 = arith.constant 0 : i32
    %c0_i32_1 = arith.constant 0 : i32
    return %c0_i32, %c0_i32_0 : i32, i32
  }
  func.func @transform_10(%arg0: i32) -> (i32, i32) {
    %c0_i32 = arith.constant 0 : i32
    %c0_i32_0 = arith.constant 0 : i32
    %c0_i32_1 = arith.constant 0 : i32
    return %c0_i32, %c0_i32_0 : i32, i32
  }
  func.func @transform_11(%arg0: i32) -> (i32, i32) {
    %c0_i32 = arith.constant 0 : i32
    %c0_i32_0 = arith.constant 0 : i32
    return %arg0, %c0_i32 : i32, i32
  }
}

</mosaic_0001>

<sc_bundles>
// kernel: kernel.6.cloned.1.call-start
scs
__scs_entry_jumppad:
0x0: {  	(pc) =	sbr.rel $0x88, $3  }
0x1: {  	(tag) =	ssettag $0x0;
	lr =	simm.s32 $0x1  }
0x2: {  	[smem:$0x3F93] =	sst lr;
	_ =	strace $0xD0000000  }
0x3: {  	_ = 	snop  }
0x4: {  	_ = 	snop  }
0x5: {  	_ = 	snop  }
0x6: {  	_ = 	snop  }
0x7: {  	_ = 	snop  }
__scs_overlays_trampoline_lowered:
0x8: {  	[smem:$0x3FA2] =	sst s0  }
0x9: {  	[smem:$0x3FA3] =	sst s1  }
0xa: {  	[smem:$0x3FA4] =	sst s2  }
0xb: {  	[smem:$0x3FA5] =	sst s3  }
0xc: {  	[smem:$0x3FA6] =	sst s4  }
0xd: {  	[smem:$0x3FA7] =	sst s5  }
0xe: {  	[smem:$0x3FA8] =	sst s6  }
0xf: {  	[smem:$0x3FA9] =	sst s7  }
0x10: {  	[smem:$0x3FAA] =	sst s8  }
0x11: {  	[smem:$0x3FAB] =	sst s9;
	s0 =	simm.s32 @!p0 $0x0  }
0x12: {  	s1 =	sld [smem:$0x3F91];
	s0 =	simm.s32 @p0 $0x1  }
0x13: {  	[smem:$0x3FAC] =	sst s0;
	s0 =	simm.s32 @!p1 $0x0  }
0x14: {  	s2 =	sld [smem:$0x3F90];
	s0 =	simm.s32 @p1 $0x1  }
0x15: {  	[smem:$0x3FAD] =	sst s0;
	s0 =	simm.s32 @!p2 $0x0  }
0x16: {  	s3 =	sld [smem:$0x3FDB];
	s0 =	simm.s32 @p2 $0x1  }
0x17: {  	s4 =	simm.s32 $0x1BF5;
	[smem:$0x3FAF] =	sst s0  }
0x18: {  	s0 =	sld [smem:$0x3F92];
	_ =	swait.ge [sflag:s4], $0x0  }
0x19: {  	s7 =	sld [smem:$0x3F93]  }
0x1a: {  	s8 =	sadd.s32 $0xFFFFE003, lr  }
0x1b: {  	s9 =	sadd.s32 $0xFFFFFEF7, lr;
	s5 =	simm.s32 $0xFFFFFFFF;
	p2 =	slt.u32 s8, $0xFFFFF086  }
0x1c: {  	p1 =	slt.u32 s9, $0xF7A;
	s5 =	simm.s32 @!p2 $0x0  }
0x1d: {  	s5 =	simm.s32 @p1 $0x1;
	p0 =	seq.s32 s7, s2  }
0x1e: {  	s7 =	smul.u32 @!p0 $0xF7A, s2;
	p2 =	seq.s32 @!p0 s5, $0x0  }
0x1f: {  	s9 =	smul.u32 $0xF7A, s1;
	s8 =	simm.s32 @!p0 $0x1BF5;
	p2 =	por !p2, p0  }
0x20: {  	[sflag:s8] =	ssyncset.s32 @!p0 $0xFFFFF086;
	s6 =	sadd.s32 @!p0 s3, s7;
	s7 =	simm.s32 @!p0 $0x108  }
0x21: {  	s3 =	sadd.s32 s3, s9;
	s6 =	sadd.s32 @!p0 $0x88, s6;
	s7 =	simm.s32 @p2 $0x1082  }
0x22: {  	[simem:s7], [sflag:s8] =	dma.local @!p0 [hbm:s6], $0xF7A  }
0x23: {  	s9 =	sor.u32 $0xD0000000, s2;
	s6 =	simm.s32 $0x108;
	_ =	swait.ge @!p0 [sflag:s8], $0x0  }
0x24: {  	s3 =	sadd.s32 $0x88, s3;
	s6 =	simm.s32 @!p1 $0x1082;
	[sflag:s4] =	ssyncset.s32 $0xFFFFF086  }
0x25: {  	[simem:s6], [sflag:s4] =	dma.local [hbm:s3], $0xF7A  }
0x26: {  	[smem:$0x3F93] =	sst s1;
	(tag) =	ssettag s2;
	_ =	strace s9  }
0x27: {  	s1 =	sld [smem:$0x3FA3]  }
0x28: {  	s2 =	sld [smem:$0x3FA4]  }
0x29: {  	s4 =	sld [smem:$0x3FA6]  }
0x2a: {  	p0 =	seq.s32 s5, $0x0;
	s5 =	sld [smem:$0x3FA7]  }
0x2b: {  	s6 =	sld [smem:$0x3FA8]  }
0x2c: {  	s7 =	sld [smem:$0x3FA9]  }
0x2d: {  	s3 =	simm.s32 $0x108;
	s8 =	sld [smem:$0x3FAA]  }
0x2e: {  	s3 =	simm.s32 @!p0 $0x1082;
	s9 =	sld [smem:$0x3FAB]  }
0x2f: {  	lr =	sadd.s32 s0, s3;
	s0 =	sld [smem:$0x3FA2]  }
0x30: {  	s3 =	sld [smem:$0x3FA5]  }
0x31: {  	[smem:$0x3FAE] =	sst s10  }
0x32: {  	s10 =	sld [smem:$0x3FAC];
	_ =	sdelay $0x3  }
0x33: {  	p0 =	seq.s32 s10, $0x1;
	s10 =	sld [smem:$0x3FAE];
	_ =	sdelay $0x3  }
0x34: {  	[smem:$0x3FAE] =	sst s10  }
0x35: {  	s10 =	sld [smem:$0x3FAD];
	_ =	sdelay $0x3  }
0x36: {  	p1 =	seq.s32 s10, $0x1;
	s10 =	sld [smem:$0x3FAE];
	_ =	sdelay $0x3  }
0x37: {  	[smem:$0x3FAE] =	sst s10  }
0x38: {  	s10 =	sld [smem:$0x3FAF]  }
0x39: {  	_ = 	snop;
	(pc) =	sbr.ind lr, $3  }
0x3a: {  	_ = 	snop  }
0x3b: {  	_ = 	snop  }
0x3c: {  	p2 =	seq.s32 s10, $0x1;
	s10 =	sld [smem:$0x3FAE]  }
0x3d: {  	_ =	shalt  }
0x3e: {  	_ =	shalt  }
0x3f: {  	_ =	shalt  }
0x40: {  	_ =	shalt  }
0x41: {  	_ =	shalt  }
0x42: {  	_ =	shalt  }
0x43: {  	_ =	shalt  }
0x44: {  	_ =	shalt  }
0x45: {  	_ =	shalt  }
0x46: {  	_ =	shalt  }
0x47: {  	_ =	shalt  }
0x48: {  	_ =	shalt  }
0x49: {  	_ =	shalt  }
0x4a: {  	_ =	shalt  }
0x4b: {  	_ =	shalt  }
0x4c: {  	_ =	shalt  }
0x4d: {  	_ =	shalt  }
0x4e: {  	_ =	shalt  }
0x4f: {  	_ =	shalt  }
0x50: {  	_ =	shalt  }
0x51: {  	_ =	shalt  }
0x52: {  	_ =	shalt  }
0x53: {  	_ =	shalt  }
0x54: {  	_ =	shalt  }
0x55: {  	_ =	shalt  }
0x56: {  	_ =	shalt  }
0x57: {  	_ =	shalt  }
0x58: {  	_ =	shalt  }
0x59: {  	_ =	shalt  }
0x5a: {  	_ =	shalt  }
0x5b: {  	_ =	shalt  }
0x5c: {  	_ =	shalt  }
0x5d: {  	_ =	shalt  }
0x5e: {  	_ =	shalt  }
0x5f: {  	_ =	shalt  }
0x60: {  	_ =	shalt  }
0x61: {  	_ =	shalt  }
0x62: {  	_ =	shalt  }
0x63: {  	_ =	shalt  }
0x64: {  	_ =	shalt  }
0x65: {  	_ =	shalt  }
0x66: {  	_ =	shalt  }
0x67: {  	_ =	shalt  }
0x68: {  	_ =	shalt  }
0x69: {  	_ =	shalt  }
0x6a: {  	_ =	shalt  }
0x6b: {  	_ =	shalt  }
0x6c: {  	_ =	shalt  }
0x6d: {  	_ =	shalt  }
0x6e: {  	_ =	shalt  }
0x6f: {  	_ =	shalt  }
0x70: {  	_ =	shalt  }
0x71: {  	_ =	shalt  }
0x72: {  	_ =	shalt  }
0x73: {  	_ =	shalt  }
0x74: {  	_ =	shalt  }
0x75: {  	_ =	shalt  }
0x76: {  	_ =	shalt  }
0x77: {  	_ =	shalt  }
0x78: {  	_ =	shalt  }
0x79: {  	_ =	shalt  }
0x7a: {  	_ =	shalt  }
0x7b: {  	_ =	shalt  }
0x7c: {  	_ =	shalt  }
0x7d: {  	_ =	shalt  }
0x7e: {  	_ =	shalt  }
0x7f: {  	_ =	shalt  }
0x80: {  	_ =	shalt  }
0x81: {  	_ =	shalt  }
0x82: {  	_ =	shalt  }
0x83: {  	_ =	shalt  }
0x84: {  	_ =	shalt  }
0x85: {  	_ =	shalt  }
0x86: {  	_ =	shalt  }
0x87: {  	_ =	shalt  }
.Lfunc_end0:
.L_simem_size_0:
called_computation_lowered:
.L_overlay_start_0:
0x88: {  	s2 =	sld [smem:$0x3FD9]  }
0x89: {  	s3 =	sld [smem:$0x3FFE];
	_ =	sdelay $0x1  }
0x8a: {  	s1 =	srdreg.scid  }
0x8b: {  	s0 =	sand.u32 $0x1, s1  }
0x8c: {  	s17 =	sshll.u32 s0, $0xA;
	s2 =	sadd.s32 s3, s2  }
0x8d: {  	s2 =	sadd.s32 s2, s17  }
0x8e: {  	[smem:$0x3FBA] =	sst s2  }
0x8f: {  	_ = 	snop  }
0x90: {  	s2 =	sld [smem:$0x3FC9];
	(tm) =	ssettm $0x1  }
0x91: {  	s18 =	sld [smem:$0x3FFB];
	_ =	sdelay $0x3  }
0x92: {  	_ =	strace s18  }
0x93: {  	s3 =	sld [smem:$0x3FFC];
	_ =	sdelay $0x3  }
0x94: {  	_ =	strace s3  }
0x95: {  	s3 =	sld [smem:$0x3FFD];
	_ =	sdelay $0x3  }
0x96: {  	_ =	strace s3  }
0x97: {  	_ =	strace $0x8FFFFFFF  }
0x98: {  	s19 =	sld [smem:$0x3FDB];
	_ =	sdelay $0x1  }
0x99: {  	s4 =	simm.s32 $_scs_section_size  }
0x9a: {  	s5 =	simm.s32 $_size__tile_overlayer_lowered;
	s6 =	simm.s32 $_tile_overlayer_lowered  }
0x9b: {  	s22 =	simm.s32 $0x1BFF;
	s21 =	sshll.u32 s6, $0x1;
	s3 =	sadd.s32 s4, s19  }
0x9c: {  	s7 =	simm.s32 $0x0;
	s20 =	sshll.u32 s5, $0x1;
	s5 =	sadd.s32 s21, s3  }
0x9d: {  	[timem:s7], [sflag:s22] =	dma.local [hbm:s5], s20  }
0x9e: {  	_ =	swait.ge [sflag:s22], s20  }
0x9f: {  	s4 =	ssub.s32 $0x0, s20;
	[sflag:s22] =	ssyncset.done $0x0  }
0xa0: {  	[sflag:s22] =	ssyncadd.s32 s4;
	_ =	sdelay $0x1  }
0xa1: {  	s23 =	simm.s32 $0x1B8B  }
0xa2: {  	_ =	swait.ge [sflag:s23], $0x1  }
0xa3: {  	[sflag:s23] =	ssyncset.done $0x0  }
0xa4: {  	s25 =	simm.s32 $0x1B8E;
	s24 =	sld [smem:$0x3FFE];
	[sflag:s23] =	ssyncadd.s32 $0xFFFFFFFF  }
0xa5: {  	s26 =	simm.s32 $execute0_lowered;
	[smem:$0x3FD2] =	sst s25  }
0xa6: {  	s5 =	sshll.u32 s26, $0x1;
	_ =	strace $0x80000046;
	[dreg:$0x1] =	wrdreg $0xFFFFFFFF  }
0xa7: {  	s28 =	simm.s32 $_size_execute0_lowered;
	s3 =	sadd.s32 s3, s5;
	[dreg:$0x0] =	wrdreg $0x0  }
0xa8: {  	s5 =	sshll.u32 s28, $0x1;
	[dreg:$0x2] =	wrdreg s3  }
0xa9: {  	[dreg:$0x3] =	wrdreg s5  }
0xaa: {  	[dreg:$0x4] =	wrdreg $0xC0  }
0xab: {  	_ =	task [dreg:s7], $0x5FFFF  }
0xac: {  	[dreg:$0x1] =	wrdreg $0xFFFFFFFF  }
0xad: {  	[dreg:$0x0] =	wrdreg $0x60  }
0xae: {  	[dreg:$0x2] =	wrdreg s2  }
0xaf: {  	[dreg:$0x3] =	wrdreg s24  }
0xb0: {  	[dreg:$0x4] =	wrdreg $0x90000  }
0xb1: {  	[dreg:$0x5] =	wrdreg $0x9  }
0xb2: {  	_ =	task.clear_ibuf [dreg:s7], $0x6FFFF;
	_ =	strace $0x90000046  }
0xb3: {  	s29 =	simm.s32 $0x9;
	_ =	strace $0x80000048  }
0xb4: {  	_ =	swait.ge [sflag:s29], $0x1  }
0xb5: {  	[sflag:s29] =	ssyncadd.s32 $0xFFFFFFFF  }
0xb6: {  	_ =	strace $0x90000048  }
0xb7: {  	_ =	sfence  }
0xb8: {  	s30 =	sld [smem:$0x0];
	_ =	sdelay $0x2  }
0xb9: {  	s31 =	sshll.u32 s1, $0xD;
	s1 =	sshrl.u32 s1, $0x2  }
0xba: {  	s3 =	sand.u32 $0x4000, s31;
	s1 =	sadd.s32 s1, s30  }
0xbb: {  	s0 =	sor.u32 s3, s0;
	s1 =	sshll.u32 s1, $0x11  }
0xbc: {  	s0 =	sor.u32 s1, s0  }
0xbd: {  	s0 =	sadd.s32 $0x8F2B, s0  }
0xbe: {  	[sflag:s0] =	ssyncadd.remote.s32 $0x1  }
0xbf: {  	_ =	sfence.sel $0xFFFF  }
0xc0: {  	[dreg:$0x0] =	wrdreg $0xFFFFFFFF;
	(pc) =	sbr.abs _section_cstart, $3  }
0xc1: {  	[dreg:$0x1] =	wrdreg $0xFFFFFFFF  }
0xc2: {  	_ =	task.clear_ibuf [dreg:s7], $0x2FFFF;
	_ =	strace $0x9FFFFFFF  }
0xc3: {  	(tm) =	ssettm $0x7FFFFFFF  }
tec
execute0_lowered:
.L_overlay_start_1:
0x0: {  	(tag) =	ssettag $0x1  }
0x1: {  	s0 =	rddreg [dreg:$0x0]  }
0x2: {  	s1 =	srdreg.scid;
	s5 =	rddreg [dreg:$0x1]  }
0x3: {  	s3 =	rddreg [dreg:$0x2];
	s2 =	stileid.u32  }
0x4: {  	s4 =	simm.s32 $0x0;
	s12 =	simm.s32 $0x2800;
	s13 =	simm.s32 $0x7D  }
0x5: {  	s6 =	sand.u32 $0x1, s1;
	s1 =	rddreg [dreg:$0x3];
	s8 =	smul.u32 $0x7D000, s2  }
0x6: {  	s14 =	simm.s32 $0x5000;
	[smem:$0x7FF] =	sst s4;
	s15 =	smul.u32 $0x3E80, s2  }
0x7: {  	p0 =	sgt.u32 s2, $0x9;
	s7 =	sshll.u32 s6, $0x4;
	_ =	strace $0x80000047  }
0x8: {  	s9 =	smul.u32 $0x27100, s6;
	s6 =	ssub.s32 $0x2, s6;
	s7 =	sor.u32 s2, s7  }
0x9: {  	s10 =	sshrl.u32 s6, $0x1;
	s8 =	sshrl.u32 s8, $0x2;
	s7 =	smul.u32 $0x500, s7  }
0xa: {  	s9 =	sadd.s32 s9, s5;
	s10 =	ssub.s32 s6, s10;
	s11 =	sadd.s32 s8, s3  }
0xb: {  	s16 =	sadd.s32 $0x16600, s9;
	s9 =	sshll.u32 @!p0 s2, $0x6;
	s8 =	smax.u32 s10, $0x1  }
0xc: {  	s10 =	sshrl.u32 @!p0 s11, $0x3;
	s11 =	simm.s32 $0x1;
	s7 =	sadd.s32 s7, s5  }
0xd: {  	s5 =	sadd.s32 s0, s15;
	s9 =	sor.u32 @!p0 $0x1C01, s9;
	s15 =	sadd.s32 @!p0 s15, s16  }
0xe: {  	s16 =	simm.s32 $0x0;
	s6 =	sadd.s32 $0x2600, s7;
	s7 =	sadd.s32 $0xC600, s7  }
.LBB2_1:
0xf: {  	[spmem:s10], [sflag:s9] =	dma.local @!p0 [hbm:s5], $0x3E80  }
0x10: {  	s17 =	simm.s32 @!p0 $0x1  }
0x11: {  	_ =	swait.ge @!p0 [sflag:s17], $0x3E80  }
0x12: {  	[sflag:s17] =	ssyncset.done @!p0 $0x0  }
0x13: {  	[sflag:s17] =	ssyncadd.s32 @!p0 $0xFFFFC180  }
0x14: {  	[tilespmem:s4], [sflag:$0x1] =	stream.linear.gather [hbm4b:s6+s4], $0x2800, $0x38;
	[tilespmem:$0x1C880] =	vst v63  }
0x15: {  	_ =	swait.ge [sflag:s11], $0x2800  }
0x16: {  	[sflag:s11] =	ssyncset.done $0x0  }
0x17: {  	[sflag:s11] =	ssyncadd.s32 $0xFFFFD800  }
0x18: {  	[tilespmem:s12], [sflag:$0x1] =	stream.linear.gather [hbm4b:s7+s4], $0x2800, $0x38;
	[tilespmem:$0x1C880] =	vst v63  }
0x19: {  	_ =	swait.ge [sflag:s11], $0x2800  }
0x1a: {  	[sflag:s11] =	ssyncset.done $0x0  }
0x1b: {  	[sflag:s11] =	ssyncadd.s32 $0xFFFFD800  }
0x1c: {  	s30 =	simm.s32 $0x0;
	[bflag:$0x0] =	sbarrier.arrive $0xFFFF  }
0x1d: {  	[tilespmem:s14], [sflag:$0x1] =	stream.indirect.gather [hbm4b:s0+s13], $0x80, s30, s13, $0xb8;
	[tilespmem:$0x1C880] =	vst v63  }
0x1e: {  	_ =	swait.ge [sflag:s11], $0x3E80  }
0x1f: {  	[sflag:s11] =	ssyncset.done $0x0  }
0x20: {  	s31 =	simm.s32 $0x2800;
	[sflag:s11] =	ssyncadd.s32 $0xFFFFC180  }
0x21: {  	[spmem:s3] =	stream.indirect.scatter.add.f32 [tilespmem:s14], [sflag:$0x1], $0x80, s31, s13, $0xb8;
	[tilespmem:$0x1C880] =	vst v63  }
0x22: {  	_ =	swait.ge [sflag:s11], $0x3E80  }
0x23: {  	s18 =	simm.s32 $0x400;
	s17 =	simm.s32 $0x200;
	[sflag:s11] =	ssyncset.done $0x0  }
.LBB2_2:
0x24: {  	s19 =	sshra.s32 s17, $0x2  }
0x25: {  	[sflag:s11] =	ssyncadd.s32 $0xFFFFC180;
	s17 =	smov.u32 s18;
	s20 =	sadd.s32 $0x200, s18  }
0x26: {  	[tilespmem:s14], [sflag:$0x1] =	stream.indirect.gather [hbm4b:s0+s13], $0x80, s19, s13, $0xb8;
	[tilespmem:$0x1C880] =	vst v63  }
0x27: {  	p1 =	sne.s32 s18, $0x9E00;
	_ =	swait.ge [sflag:s11], $0x3E80  }
.Ltmp0:
0x28: {  	[sflag:s11] =	ssyncset.done $0x0;
	(pc) =	sbr.rel @p1 .LBB2_2-.Ltmp0, $4  }
0x29: {  	s18 =	sadd.s32 $0x2800, s19;
	[sflag:s11] =	ssyncadd.s32 $0xFFFFC180  }
0x2a: {  	[spmem:s3] =	stream.indirect.scatter.add.f32 [tilespmem:s14], [sflag:$0x1], $0x80, s18, s13, $0xb8;
	[tilespmem:$0x1C880] =	vst v63  }
0x2b: {  	_ =	swait.ge [sflag:s11], $0x3E80  }
0x2c: {  	s18 =	smov.u32 s20;
	[sflag:s11] =	ssyncset.done $0x0  }
0x2d: {  	s17 =	sshra.s32 s17, $0x2;
	[sflag:s11] =	ssyncadd.s32 $0xFFFFC180  }
0x2e: {  	[tilespmem:s14], [sflag:$0x1] =	stream.indirect.gather [hbm4b:s0+s13], $0x80, s17, s13, $0xb8;
	[tilespmem:$0x1C880] =	vst v63  }
0x2f: {  	_ =	swait.ge [sflag:s11], $0x3E80  }
0x30: {  	[sflag:s11] =	ssyncset.done $0x0  }
0x31: {  	s17 =	sadd.s32 $0x2800, s17;
	[sflag:s11] =	ssyncadd.s32 $0xFFFFC180  }
0x32: {  	[spmem:s3] =	stream.indirect.scatter.add.f32 [tilespmem:s14], [sflag:$0x1], $0x80, s17, s13, $0xb8;
	[tilespmem:$0x1C880] =	vst v63  }
0x33: {  	_ =	swait.ge [sflag:s11], $0x3E80  }
0x34: {  	s16 =	sadd.s32 $0x1, s16;
	[sflag:s11] =	ssyncset.done $0x0  }
0x35: {  	p1 =	sne.s32 s16, s8;
	[sflag:s11] =	ssyncadd.s32 $0xFFFFC180  }
.Ltmp1:
0x36: {  	s17 =	simm.s32 @!p0 $0x1;
	[bflag:$0x0] =	sbarrier.arrive $0xFFFF;
	(pc) =	sbr.rel @p1 .LBB2_1-.Ltmp1, $4  }
0x37: {  	[hbm:s15], [sflag:s9] =	dma.local @!p0 [spmem:s10], $0x3E80  }
0x38: {  	_ =	swait.ge @!p0 [sflag:s17], $0x3E80  }
0x39: {  	[sflag:s17] =	ssyncset.done @!p0 $0x0  }
0x3a: {  	[sflag:s17] =	ssyncadd.s32 @!p0 $0xFFFFC180  }
0x3b: {  	_ =	sfence.sel $0x180000  }
0x3c: {  	[bflag:$0x0] =	sbarrier.arrive $0xFFFF  }
0x3d: {  	p0 =	sne.s32 s2, $0x0;
	_ =	strace $0x90000047  }
0x3e: {  	s0 =	sadd.s32 @!p0 $0x100000, s1;
	[bflag:$0x2] =	sbarrier.arrive $0xFFFF  }
0x3f: {  	[sflag:s0] =	ssyncadd.tile.s32 @!p0 $0x1;
	_ =	shalt  }
.Lfunc_end2:
_tile_overlayer_lowered:
.L_overlay_start_2:
0x40: {  	(tag) =	ssettag $0x2  }
0x41: {  	s0 =	rddreg [dreg:$0x0];
	s2 =	stileid.u32  }
0x42: {  	s1 =	rddreg [dreg:$0x1];
	p0 =	sne.s32 s2, $0x0  }
0x43: {  	s3 =	rddreg [dreg:$0x2];
	[bflag:$0x3] =	sbarrier.arrive $0xFFFF;
	s2 =	simm.s32 @!p0 $0x1C01  }
0x44: {  	[timem:s3], [sflag:s2] =	dma.local @!p0 [hbm:s0], s1  }
0x45: {  	s0 =	simm.s32 @!p0 $0x1  }
0x46: {  	_ =	swait.ge @!p0 [sflag:s0], s1  }
0x47: {  	s1 =	ssub.s32 @!p0 $0x0, s1;
	[sflag:s0] =	ssyncset.done @!p0 $0x0  }
0x48: {  	[sflag:s0] =	ssyncadd.s32 @!p0 s1  }
0x49: {  	[bflag:$0x3] =	sbarrier.arrive $0xFFFF  }
0x4a: {  	_ =	shalt  }

// kernel: kernel.9.cloned.1.call-start
scs
__scs_entry_jumppad:
0x0: {  	(pc) =	sbr.rel $0x88, $3  }
0x1: {  	(tag) =	ssettag $0x0;
	lr =	simm.s32 $0x1  }
0x2: {  	[smem:$0x3F93] =	sst lr;
	_ =	strace $0xD0000000  }
0x3: {  	_ = 	snop  }
0x4: {  	_ = 	snop  }
0x5: {  	_ = 	snop  }
0x6: {  	_ = 	snop  }
0x7: {  	_ = 	snop  }
__scs_overlays_trampoline_lowered:
0x8: {  	[smem:$0x3FA2] =	sst s0  }
0x9: {  	[smem:$0x3FA3] =	sst s1  }
0xa: {  	[smem:$0x3FA4] =	sst s2  }
0xb: {  	[smem:$0x3FA5] =	sst s3  }
0xc: {  	[smem:$0x3FA6] =	sst s4  }
0xd: {  	[smem:$0x3FA7] =	sst s5  }
0xe: {  	[smem:$0x3FA8] =	sst s6  }
0xf: {  	[smem:$0x3FA9] =	sst s7  }
0x10: {  	[smem:$0x3FAA] =	sst s8  }
0x11: {  	[smem:$0x3FAB] =	sst s9;
	s0 =	simm.s32 @!p0 $0x0  }
0x12: {  	s1 =	sld [smem:$0x3F91];
	s0 =	simm.s32 @p0 $0x1  }
0x13: {  	[smem:$0x3FAC] =	sst s0;
	s0 =	simm.s32 @!p1 $0x0  }
0x14: {  	s2 =	sld [smem:$0x3F90];
	s0 =	simm.s32 @p1 $0x1  }
0x15: {  	[smem:$0x3FAD] =	sst s0;
	s0 =	simm.s32 @!p2 $0x0  }
0x16: {  	s3 =	sld [smem:$0x3FDB];
	s0 =	simm.s32 @p2 $0x1  }
0x17: {  	s4 =	simm.s32 $0x1BF5;
	[smem:$0x3FAF] =	sst s0  }
0x18: {  	s0 =	sld [smem:$0x3F92];
	_ =	swait.ge [sflag:s4], $0x0  }
0x19: {  	s7 =	sld [smem:$0x3F93]  }
0x1a: {  	s8 =	sadd.s32 $0xFFFFE003, lr  }
0x1b: {  	s9 =	sadd.s32 $0xFFFFFEF7, lr;
	s5 =	simm.s32 $0xFFFFFFFF;
	p2 =	slt.u32 s8, $0xFFFFF086  }
0x1c: {  	p1 =	slt.u32 s9, $0xF7A;
	s5 =	simm.s32 @!p2 $0x0  }
0x1d: {  	s5 =	simm.s32 @p1 $0x1;
	p0 =	seq.s32 s7, s2  }
0x1e: {  	s7 =	smul.u32 @!p0 $0xF7A, s2;
	p2 =	seq.s32 @!p0 s5, $0x0  }
0x1f: {  	s9 =	smul.u32 $0xF7A, s1;
	s8 =	simm.s32 @!p0 $0x1BF5;
	p2 =	por !p2, p0  }
0x20: {  	[sflag:s8] =	ssyncset.s32 @!p0 $0xFFFFF086;
	s6 =	sadd.s32 @!p0 s3, s7;
	s7 =	simm.s32 @!p0 $0x108  }
0x21: {  	s3 =	sadd.s32 s3, s9;
	s6 =	sadd.s32 @!p0 $0x88, s6;
	s7 =	simm.s32 @p2 $0x1082  }
0x22: {  	[simem:s7], [sflag:s8] =	dma.local @!p0 [hbm:s6], $0xF7A  }
0x23: {  	s9 =	sor.u32 $0xD0000000, s2;
	s6 =	simm.s32 $0x108;
	_ =	swait.ge @!p0 [sflag:s8], $0x0  }
0x24: {  	s3 =	sadd.s32 $0x88, s3;
	s6 =	simm.s32 @!p1 $0x1082;
	[sflag:s4] =	ssyncset.s32 $0xFFFFF086  }
0x25: {  	[simem:s6], [sflag:s4] =	dma.local [hbm:s3], $0xF7A  }
0x26: {  	[smem:$0x3F93] =	sst s1;
	(tag) =	ssettag s2;
	_ =	strace s9  }
0x27: {  	s1 =	sld [smem:$0x3FA3]  }
0x28: {  	s2 =	sld [smem:$0x3FA4]  }
0x29: {  	s4 =	sld [smem:$0x3FA6]  }
0x2a: {  	p0 =	seq.s32 s5, $0x0;
	s5 =	sld [smem:$0x3FA7]  }
0x2b: {  	s6 =	sld [smem:$0x3FA8]  }
0x2c: {  	s7 =	sld [smem:$0x3FA9]  }
0x2d: {  	s3 =	simm.s32 $0x108;
	s8 =	sld [smem:$0x3FAA]  }
0x2e: {  	s3 =	simm.s32 @!p0 $0x1082;
	s9 =	sld [smem:$0x3FAB]  }
0x2f: {  	lr =	sadd.s32 s0, s3;
	s0 =	sld [smem:$0x3FA2]  }
0x30: {  	s3 =	sld [smem:$0x3FA5]  }
0x31: {  	[smem:$0x3FAE] =	sst s10  }
0x32: {  	s10 =	sld [smem:$0x3FAC];
	_ =	sdelay $0x3  }
0x33: {  	p0 =	seq.s32 s10, $0x1;
	s10 =	sld [smem:$0x3FAE];
	_ =	sdelay $0x3  }
0x34: {  	[smem:$0x3FAE] =	sst s10  }
0x35: {  	s10 =	sld [smem:$0x3FAD];
	_ =	sdelay $0x3  }
0x36: {  	p1 =	seq.s32 s10, $0x1;
	s10 =	sld [smem:$0x3FAE];
	_ =	sdelay $0x3  }
0x37: {  	[smem:$0x3FAE] =	sst s10  }
0x38: {  	s10 =	sld [smem:$0x3FAF]  }
0x39: {  	_ = 	snop;
	(pc) =	sbr.ind lr, $3  }
0x3a: {  	_ = 	snop  }
0x3b: {  	_ = 	snop  }
0x3c: {  	p2 =	seq.s32 s10, $0x1;
	s10 =	sld [smem:$0x3FAE]  }
0x3d: {  	_ =	shalt  }
0x3e: {  	_ =	shalt  }
0x3f: {  	_ =	shalt  }
0x40: {  	_ =	shalt  }
0x41: {  	_ =	shalt  }
0x42: {  	_ =	shalt  }
0x43: {  	_ =	shalt  }
0x44: {  	_ =	shalt  }
0x45: {  	_ =	shalt  }
0x46: {  	_ =	shalt  }
0x47: {  	_ =	shalt  }
0x48: {  	_ =	shalt  }
0x49: {  	_ =	shalt  }
0x4a: {  	_ =	shalt  }
0x4b: {  	_ =	shalt  }
0x4c: {  	_ =	shalt  }
0x4d: {  	_ =	shalt  }
0x4e: {  	_ =	shalt  }
0x4f: {  	_ =	shalt  }
0x50: {  	_ =	shalt  }
0x51: {  	_ =	shalt  }
0x52: {  	_ =	shalt  }
0x53: {  	_ =	shalt  }
0x54: {  	_ =	shalt  }
0x55: {  	_ =	shalt  }
0x56: {  	_ =	shalt  }
0x57: {  	_ =	shalt  }
0x58: {  	_ =	shalt  }
0x59: {  	_ =	shalt  }
0x5a: {  	_ =	shalt  }
0x5b: {  	_ =	shalt  }
0x5c: {  	_ =	shalt  }
0x5d: {  	_ =	shalt  }
0x5e: {  	_ =	shalt  }
0x5f: {  	_ =	shalt  }
0x60: {  	_ =	shalt  }
0x61: {  	_ =	shalt  }
0x62: {  	_ =	shalt  }
0x63: {  	_ =	shalt  }
0x64: {  	_ =	shalt  }
0x65: {  	_ =	shalt  }
0x66: {  	_ =	shalt  }
0x67: {  	_ =	shalt  }
0x68: {  	_ =	shalt  }
0x69: {  	_ =	shalt  }
0x6a: {  	_ =	shalt  }
0x6b: {  	_ =	shalt  }
0x6c: {  	_ =	shalt  }
0x6d: {  	_ =	shalt  }
0x6e: {  	_ =	shalt  }
0x6f: {  	_ =	shalt  }
0x70: {  	_ =	shalt  }
0x71: {  	_ =	shalt  }
0x72: {  	_ =	shalt  }
0x73: {  	_ =	shalt  }
0x74: {  	_ =	shalt  }
0x75: {  	_ =	shalt  }
0x76: {  	_ =	shalt  }
0x77: {  	_ =	shalt  }
0x78: {  	_ =	shalt  }
0x79: {  	_ =	shalt  }
0x7a: {  	_ =	shalt  }
0x7b: {  	_ =	shalt  }
0x7c: {  	_ =	shalt  }
0x7d: {  	_ =	shalt  }
0x7e: {  	_ =	shalt  }
0x7f: {  	_ =	shalt  }
0x80: {  	_ =	shalt  }
0x81: {  	_ =	shalt  }
0x82: {  	_ =	shalt  }
0x83: {  	_ =	shalt  }
0x84: {  	_ =	shalt  }
0x85: {  	_ =	shalt  }
0x86: {  	_ =	shalt  }
0x87: {  	_ =	shalt  }
.Lfunc_end0:
.L_simem_size_0:
called_computation.1_lowered:
.L_overlay_start_0:
0x88: {  	s2 =	sld [smem:$0x3FD9]  }
0x89: {  	s3 =	sld [smem:$0x3FFE];
	_ =	sdelay $0x1  }
0x8a: {  	s1 =	srdreg.scid  }
0x8b: {  	s0 =	sand.u32 $0x1, s1  }
0x8c: {  	s16 =	sshll.u32 s0, $0xA;
	s2 =	sadd.s32 s3, s2  }
0x8d: {  	s2 =	sadd.s32 s2, s16  }
0x8e: {  	[smem:$0x3FBA] =	sst s2  }
0x8f: {  	_ = 	snop  }
0x90: {  	(tm) =	ssettm $0x1  }
0x91: {  	s17 =	sld [smem:$0x3FFB];
	_ =	sdelay $0x3  }
0x92: {  	_ =	strace s17  }
0x93: {  	s2 =	sld [smem:$0x3FFC];
	_ =	sdelay $0x3  }
0x94: {  	_ =	strace s2  }
0x95: {  	s2 =	sld [smem:$0x3FFD];
	_ =	sdelay $0x3  }
0x96: {  	_ =	strace s2  }
0x97: {  	_ =	strace $0x8FFFFFFF  }
0x98: {  	s18 =	sld [smem:$0x3FDB];
	_ =	sdelay $0x1  }
0x99: {  	s19 =	simm.s32 $_scs_section_size  }
0x9a: {  	s4 =	simm.s32 $_size__tile_overlayer_lowered;
	s5 =	simm.s32 $_tile_overlayer_lowered  }
0x9b: {  	s22 =	simm.s32 $0x1BFF;
	s21 =	sshll.u32 s5, $0x1;
	s2 =	sadd.s32 s19, s18  }
0x9c: {  	s6 =	simm.s32 $0x0;
	s20 =	sshll.u32 s4, $0x1;
	s4 =	sadd.s32 s21, s2  }
0x9d: {  	[timem:s6], [sflag:s22] =	dma.local [hbm:s4], s20  }
0x9e: {  	_ =	swait.ge [sflag:s22], s20  }
0x9f: {  	s3 =	ssub.s32 $0x0, s20;
	[sflag:s22] =	ssyncset.done $0x0  }
0xa0: {  	[sflag:s22] =	ssyncadd.s32 s3;
	_ =	sdelay $0x1  }
0xa1: {  	s23 =	simm.s32 $0x1B8B  }
0xa2: {  	_ =	swait.ge [sflag:s23], $0x1  }
0xa3: {  	[sflag:s23] =	ssyncset.done $0x0  }
0xa4: {  	s25 =	simm.s32 $0x1B8E;
	s24 =	sld [smem:$0x3FFE];
	[sflag:s23] =	ssyncadd.s32 $0xFFFFFFFF  }
0xa5: {  	s26 =	simm.s32 $execute0_lowered;
	[smem:$0x3FD2] =	sst s25  }
0xa6: {  	s4 =	sshll.u32 s26, $0x1;
	_ =	strace $0x80000049;
	[dreg:$0x1] =	wrdreg $0xFFFFFFFF  }
0xa7: {  	s28 =	simm.s32 $_size_execute0_lowered;
	s2 =	sadd.s32 s2, s4;
	[dreg:$0x0] =	wrdreg $0x0  }
0xa8: {  	s4 =	sshll.u32 s28, $0x1;
	[dreg:$0x2] =	wrdreg s2  }
0xa9: {  	[dreg:$0x3] =	wrdreg s4  }
0xaa: {  	[dreg:$0x4] =	wrdreg $0xC0  }
0xab: {  	_ =	task [dreg:s6], $0x5FFFF  }
0xac: {  	[dreg:$0x1] =	wrdreg $0xFFFFFFFF  }
0xad: {  	[dreg:$0x0] =	wrdreg $0x60  }
0xae: {  	[dreg:$0x2] =	wrdreg s24  }
0xaf: {  	[dreg:$0x3] =	wrdreg $0x6F400  }
0xb0: {  	[dreg:$0x4] =	wrdreg $0x9  }
0xb1: {  	_ =	task.clear_ibuf [dreg:s6], $0x5FFFF;
	_ =	strace $0x90000049  }
0xb2: {  	s29 =	simm.s32 $0x9;
	_ =	strace $0x8000004B  }
0xb3: {  	_ =	swait.ge [sflag:s29], $0x1  }
0xb4: {  	[sflag:s29] =	ssyncadd.s32 $0xFFFFFFFF  }
0xb5: {  	_ =	strace $0x9000004B  }
0xb6: {  	_ =	sfence  }
0xb7: {  	s30 =	sld [smem:$0x0];
	_ =	sdelay $0x2  }
0xb8: {  	s31 =	sshll.u32 s1, $0xD;
	s1 =	sshrl.u32 s1, $0x2  }
0xb9: {  	s3 =	sand.u32 $0x4000, s31;
	s1 =	sadd.s32 s1, s30  }
0xba: {  	s0 =	sor.u32 s3, s0;
	s1 =	sshll.u32 s1, $0x11  }
0xbb: {  	s0 =	sor.u32 s1, s0  }
0xbc: {  	s0 =	sadd.s32 $0x8F2B, s0  }
0xbd: {  	[sflag:s0] =	ssyncadd.remote.s32 $0x1  }
0xbe: {  	_ =	sfence.sel $0xFFFF  }
0xbf: {  	[dreg:$0x0] =	wrdreg $0xFFFFFFFF;
	(pc) =	sbr.abs _section_cstart, $3  }
0xc0: {  	[dreg:$0x1] =	wrdreg $0xFFFFFFFF  }
0xc1: {  	_ =	task.clear_ibuf [dreg:s6], $0x2FFFF;
	_ =	strace $0x9FFFFFFF  }
0xc2: {  	(tm) =	ssettm $0x7FFFFFFF  }
0xc3: {  	_ =	shalt  }
tec
execute0_lowered:
.L_overlay_start_1:
0x0: {  	(tag) =	ssettag $0x1  }
0x1: {  	s0 =	srdreg.scid;
	s5 =	rddreg [dreg:$0x0]  }
0x2: {  	s2 =	rddreg [dreg:$0x1];
	s1 =	stileid.u32  }
0x3: {  	s3 =	simm.s32 $0x0;
	s12 =	simm.s32 $0x2800;
	s13 =	simm.s32 $0x7D  }
0x4: {  	s14 =	simm.s32 $0x5000;
	s6 =	sand.u32 $0x1, s0;
	s0 =	rddreg [dreg:$0x2]  }
0x5: {  	[smem:$0x7FF] =	sst s3;
	s9 =	smul.u32 $0xFA00, s1;
	p0 =	sgt.u32 s1, $0x9  }
0x6: {  	s4 =	sshll.u32 s6, $0x4;
	s8 =	smul.u32 $0x13880, s6;
	s6 =	ssub.s32 $0x2, s6  }
0x7: {  	_ =	strace $0x8000004A;
	s4 =	sor.u32 s1, s4;
	s31 =	sshrl.u32 s6, $0x1  }
0x8: {  	s11 =	sadd.s32 s9, s2;
	s15 =	sshrl.u32 s9, $0x3;
	s9 =	sshll.u32 @!p0 s1, $0x6  }
0x9: {  	s7 =	smul.u32 $0x500, s4;
	s4 =	sadd.s32 $0x2600, s5;
	s8 =	sadd.s32 s8, s5  }
0xa: {  	s10 =	ssub.s32 s6, s31;
	s9 =	sor.u32 @!p0 $0x1C01, s9;
	s16 =	sadd.s32 $0x16000, s8  }
0xb: {  	s8 =	smax.u32 s10, $0x1;
	s10 =	sshrl.u32 @!p0 s11, $0x3;
	s11 =	simm.s32 $0x1  }
0xc: {  	s7 =	sadd.s32 s7, s5;
	s5 =	sadd.s32 s4, s15;
	s15 =	sadd.s32 @!p0 s15, s16  }
0xd: {  	s16 =	simm.s32 $0x0;
	s6 =	sadd.s32 $0x6E800, s7;
	s7 =	sadd.s32 $0x64800, s7  }
.LBB2_1:
0xe: {  	[spmem:s10], [sflag:s9] =	dma.local @!p0 [hbm:s5], $0x1F40  }
0xf: {  	s17 =	simm.s32 @!p0 $0x1  }
0x10: {  	_ =	swait.ge @!p0 [sflag:s17], $0x1F40  }
0x11: {  	[sflag:s17] =	ssyncset.done @!p0 $0x0  }
0x12: {  	[sflag:s17] =	ssyncadd.s32 @!p0 $0xFFFFE0C0  }
0x13: {  	[tilespmem:s3], [sflag:$0x1] =	stream.linear.gather [hbm4b:s6+s3], $0x2800, $0x38;
	[tilespmem:$0x10B80] =	vst v63  }
0x14: {  	_ =	swait.ge [sflag:s11], $0x2800  }
0x15: {  	[sflag:s11] =	ssyncset.done $0x0  }
0x16: {  	[sflag:s11] =	ssyncadd.s32 $0xFFFFD800  }
0x17: {  	[tilespmem:s12], [sflag:$0x1] =	stream.linear.gather [hbm4b:s7+s3], $0x2800, $0x38;
	[tilespmem:$0x10B80] =	vst v63  }
0x18: {  	_ =	swait.ge [sflag:s11], $0x2800  }
0x19: {  	[sflag:s11] =	ssyncset.done $0x0  }
0x1a: {  	[sflag:s11] =	ssyncadd.s32 $0xFFFFD800  }
0x1b: {  	s30 =	simm.s32 $0x0;
	[bflag:$0x0] =	sbarrier.arrive $0xFFFF  }
0x1c: {  	[tilespmem:s14], [sflag:$0x1] =	stream.indirect.gather [hbm4b:s4+s13], $0x40, s30, s13, $0xb8;
	[tilespmem:$0x10B80] =	vst v63  }
0x1d: {  	_ =	swait.ge [sflag:s11], $0x1F40  }
0x1e: {  	[sflag:s11] =	ssyncset.done $0x0  }
0x1f: {  	s31 =	simm.s32 $0x2800;
	[sflag:s11] =	ssyncadd.s32 $0xFFFFE0C0  }
0x20: {  	[spmem:s2] =	stream.indirect.scatter.add.f32 [tilespmem:s14], [sflag:$0x1], $0x40, s31, s13, $0xb8;
	[tilespmem:$0x10B80] =	vst v63  }
0x21: {  	_ =	swait.ge [sflag:s11], $0x1F40  }
0x22: {  	s18 =	simm.s32 $0x400;
	s17 =	simm.s32 $0x200;
	[sflag:s11] =	ssyncset.done $0x0  }
.LBB2_2:
0x23: {  	s19 =	sshra.s32 s17, $0x2  }
0x24: {  	[sflag:s11] =	ssyncadd.s32 $0xFFFFE0C0;
	s17 =	smov.u32 s18;
	s20 =	sadd.s32 $0x200, s18  }
0x25: {  	[tilespmem:s14], [sflag:$0x1] =	stream.indirect.gather [hbm4b:s4+s13], $0x40, s19, s13, $0xb8;
	[tilespmem:$0x10B80] =	vst v63  }
0x26: {  	p1 =	sne.s32 s18, $0x9E00;
	_ =	swait.ge [sflag:s11], $0x1F40  }
.Ltmp0:
0x27: {  	[sflag:s11] =	ssyncset.done $0x0;
	(pc) =	sbr.rel @p1 .LBB2_2-.Ltmp0, $4  }
0x28: {  	s18 =	sadd.s32 $0x2800, s19;
	[sflag:s11] =	ssyncadd.s32 $0xFFFFE0C0  }
0x29: {  	[spmem:s2] =	stream.indirect.scatter.add.f32 [tilespmem:s14], [sflag:$0x1], $0x40, s18, s13, $0xb8;
	[tilespmem:$0x10B80] =	vst v63  }
0x2a: {  	_ =	swait.ge [sflag:s11], $0x1F40  }
0x2b: {  	s18 =	smov.u32 s20;
	[sflag:s11] =	ssyncset.done $0x0  }
0x2c: {  	s17 =	sshra.s32 s17, $0x2;
	[sflag:s11] =	ssyncadd.s32 $0xFFFFE0C0  }
0x2d: {  	[tilespmem:s14], [sflag:$0x1] =	stream.indirect.gather [hbm4b:s4+s13], $0x40, s17, s13, $0xb8;
	[tilespmem:$0x10B80] =	vst v63  }
0x2e: {  	_ =	swait.ge [sflag:s11], $0x1F40  }
0x2f: {  	[sflag:s11] =	ssyncset.done $0x0  }
0x30: {  	s17 =	sadd.s32 $0x2800, s17;
	[sflag:s11] =	ssyncadd.s32 $0xFFFFE0C0  }
0x31: {  	[spmem:s2] =	stream.indirect.scatter.add.f32 [tilespmem:s14], [sflag:$0x1], $0x40, s17, s13, $0xb8;
	[tilespmem:$0x10B80] =	vst v63  }
0x32: {  	_ =	swait.ge [sflag:s11], $0x1F40  }
0x33: {  	s16 =	sadd.s32 $0x1, s16;
	[sflag:s11] =	ssyncset.done $0x0  }
0x34: {  	p1 =	sne.s32 s16, s8;
	[sflag:s11] =	ssyncadd.s32 $0xFFFFE0C0  }
.Ltmp1:
0x35: {  	s17 =	simm.s32 @!p0 $0x1;
	[bflag:$0x0] =	sbarrier.arrive $0xFFFF;
	(pc) =	sbr.rel @p1 .LBB2_1-.Ltmp1, $4  }
0x36: {  	[hbm:s15], [sflag:s9] =	dma.local @!p0 [spmem:s10], $0x1F40  }
0x37: {  	_ =	swait.ge @!p0 [sflag:s17], $0x1F40  }
0x38: {  	[sflag:s17] =	ssyncset.done @!p0 $0x0  }
0x39: {  	[sflag:s17] =	ssyncadd.s32 @!p0 $0xFFFFE0C0  }
0x3a: {  	_ =	sfence.sel $0x180000  }
0x3b: {  	[bflag:$0x0] =	sbarrier.arrive $0xFFFF  }
0x3c: {  	p0 =	sne.s32 s1, $0x0;
	_ =	strace $0x9000004A  }
0x3d: {  	s0 =	sadd.s32 @!p0 $0x100000, s0;
	[bflag:$0x2] =	sbarrier.arrive $0xFFFF  }
0x3e: {  	[sflag:s0] =	ssyncadd.tile.s32 @!p0 $0x1;
	_ =	shalt  }
.Lfunc_end2:
_tile_overlayer_lowered:
.L_overlay_start_2:
0x3f: {  	(tag) =	ssettag $0x2  }
0x40: {  	s0 =	rddreg [dreg:$0x0];
	s2 =	stileid.u32  }
0x41: {  	s1 =	rddreg [dreg:$0x1];
	p0 =	sne.s32 s2, $0x0  }
0x42: {  	s3 =	rddreg [dreg:$0x2];
	[bflag:$0x3] =	sbarrier.arrive $0xFFFF;
	s2 =	simm.s32 @!p0 $0x1C01  }
0x43: {  	[timem:s3], [sflag:s2] =	dma.local @!p0 [hbm:s0], s1  }
0x44: {  	s0 =	simm.s32 @!p0 $0x1  }
0x45: {  	_ =	swait.ge @!p0 [sflag:s0], s1  }
0x46: {  	s1 =	ssub.s32 @!p0 $0x0, s1;
	[sflag:s0] =	ssyncset.done @!p0 $0x0  }
0x47: {  	[sflag:s0] =	ssyncadd.s32 @!p0 s1  }
0x48: {  	[bflag:$0x3] =	sbarrier.arrive $0xFFFF  }
0x49: {  	_ =	shalt  }

</sc_bundles>
